<compile_context>
chip_gen: v7x
topology: tpu7x:2x2x1
jax: 0.10.2.dev20260603
libtpu: 0.0.44.dev20260713+nightly
codegen_flags: <defaults>
</compile_context>

<pallas_src>
import functools

import jax
import jax.numpy as jnp
from jax import lax
from jax.experimental import pallas as pl
from jax.experimental.pallas import tpu as pltpu
from jax.experimental.pallas import tpu_sc as plsc

N = 10000
E = 320000
D = 128

NC = 2
NS = 16
NW = NC * NS

CH = 128
NCH = 80
EPT = NCH * CH
EP = NW * EPT
NACC = NCH * CH
ROWS_PT = NACC // NS
HB = 8
NHB = NCH // HB

_mesh = plsc.VectorSubcoreMesh(core_axis_name="c", subcore_axis_name="s")
_sc_params = pltpu.CompilerParams(needs_layout_passes=False)


def _accum_group(acc2d, kbuf, fbuf, keys, vals):
    i16 = lax.iota(jnp.int32, 16)
    ks, vs = plsc.sort_key_val(keys, vals)
    kbuf[...] = ks
    nxt = plsc.load_gather(kbuf, [jnp.minimum(i16 + 1, 15)])
    lm = (ks != nxt) | (i16 == 15)
    c = plsc.cumsum(vs)
    f = plsc.cummax(jnp.where(lm, c, 0.0))
    fbuf[...] = f
    sh = plsc.load_gather(fbuf, [jnp.maximum(i16 - 1, 0)])
    sh = jnp.where(i16 == 0, 0.0, sh)
    delta = c - sh
    row = lax.shift_right_logical(ks, 7)
    col = lax.bitwise_and(ks, 127)
    plsc.addupdate_scatter(acc2d, [row, col], delta, mask=lm)


@functools.partial(
    pl.kernel,
    out_type=jax.ShapeDtypeStruct((NC, NCH, CH), jnp.float32),
    mesh=_mesh,
    compiler_params=_sc_params,
    scratch_types=[
        pltpu.VMEM((NCH, CH), jnp.int32),
        pltpu.VMEM((NCH, CH), jnp.float32),
        pltpu.VMEM((1, NCH), jnp.int32),
        pltpu.VMEM((16,), jnp.int32),
        pltpu.VMEM((16,), jnp.float32),
        pltpu.VMEM_SHARED((NCH, CH), jnp.float32),
    ],
)
def _sc_count(dst_hbm, z128_hbm, iota_hbm, cnt_out, dst_v, cnt_v, id_v,
              kbuf, fbuf, cnt_sh):
    c = lax.axis_index("c")
    s = lax.axis_index("s")
    w = c * NS + s
    pltpu.sync_copy(dst_hbm.at[w], dst_v)
    pltpu.sync_copy(z128_hbm.at[pl.ds(0, NCH)], cnt_v)
    @pl.when(s < NHB)
    def _():
        pltpu.sync_copy(z128_hbm.at[pl.ds(s * HB, HB)],
                        cnt_sh.at[pl.ds(s * HB, HB)])

    pltpu.sync_copy(iota_hbm, id_v)
    plsc.subcore_barrier()

    ones = jnp.full((16,), 1.0, jnp.float32)

    def _group(g, carry):
        keys = dst_v[g // 8, pl.ds((g % 8) * 16, 16)]
        _accum_group(cnt_v, kbuf, fbuf, keys, ones)
        return carry

    lax.fori_loop(0, NCH * 8, _group, 0)
    pltpu.sync_copy(cnt_v, cnt_sh.at[id_v.at[0]], add=True)
    plsc.subcore_barrier()
    @pl.when(s < NHB)
    def _():
        pltpu.sync_copy(cnt_sh.at[pl.ds(s * HB, HB)],
                        cnt_out.at[c, pl.ds(s * HB, HB)])


@functools.partial(
    pl.kernel,
    out_type=jax.ShapeDtypeStruct((NC, NCH, CH), jnp.float32),
    mesh=_mesh,
    compiler_params=_sc_params,
    scratch_types=[
        pltpu.VMEM((NCH, CH), jnp.int32),
        pltpu.VMEM((NCH, CH), jnp.int32),
        pltpu.VMEM((NCH, CH), jnp.float32),
        pltpu.VMEM((NCH, CH), jnp.float32),
        pltpu.VMEM((1, NCH), jnp.int32),
        pltpu.VMEM((16,), jnp.int32),
        pltpu.VMEM((16,), jnp.float32),
        pltpu.VMEM_SHARED((NCH, CH), jnp.float32),
    ],
)
def _sc_tacc(dinvp_hbm, src_hbm, dst_hbm, z128_hbm, iota_hbm, t_out,
             src_v, dst_v, dinv_v, t_v, id_v, kbuf, fbuf, t_sh):
    c = lax.axis_index("c")
    s = lax.axis_index("s")
    w = c * NS + s
    pltpu.sync_copy(src_hbm.at[w], src_v)
    pltpu.sync_copy(dst_hbm.at[w], dst_v)
    pltpu.sync_copy(dinvp_hbm, dinv_v)
    pltpu.sync_copy(z128_hbm.at[pl.ds(0, NCH)], t_v)

    @pl.when(s < NHB)
    def _():
        pltpu.sync_copy(z128_hbm.at[pl.ds(s * HB, HB)],
                        t_sh.at[pl.ds(s * HB, HB)])

    pltpu.sync_copy(iota_hbm, id_v)
    plsc.subcore_barrier()

    def _tgroup(g, carry):
        ch = g // 8
        gg = g % 8
        keys = src_v[ch, pl.ds(gg * 16, 16)]
        d = dst_v[ch, pl.ds(gg * 16, 16)]
        dv = plsc.load_gather(
            dinv_v, [lax.shift_right_logical(d, 7), lax.bitwise_and(d, 127)])
        _accum_group(t_v, kbuf, fbuf, keys, dv)
        return carry

    lax.fori_loop(0, NCH * 8, _tgroup, 0)
    pltpu.sync_copy(t_v, t_sh.at[id_v.at[0]], add=True)
    plsc.subcore_barrier()

    @pl.when(s < NHB)
    def _():
        pltpu.sync_copy(t_sh.at[pl.ds(s * HB, HB)],
                        t_out.at[c, pl.ds(s * HB, HB)])


SCH = 128
SNCH = EPT // SCH
SHALF = SNCH // 2


@functools.partial(
    pl.kernel,
    out_type=jax.ShapeDtypeStruct((NC, NACC, D), jnp.float32),
    mesh=_mesh,
    compiler_params=_sc_params,
    scratch_types=[
        pltpu.VMEM((SHALF, SCH), jnp.int32),
        pltpu.VMEM((SHALF, SCH), jnp.int32),
        pltpu.VMEM((SCH, D), jnp.float32),
        pltpu.VMEM((SCH, D), jnp.float32),
        pltpu.VMEM_SHARED((NACC, D), jnp.float32),
        pltpu.SemaphoreType.DMA,
        pltpu.SemaphoreType.DMA,
        pltpu.SemaphoreType.DMA,
        pltpu.SemaphoreType.DMA,
    ],
)
def _sc_scatter(g1_hbm, src_hbm, dst_hbm, z128_hbm, s_out,
                src_v, dst_v, rows0, rows1, s_sh,
                sem_g0, sem_g1, sem_s0, sem_s1):
    c = lax.axis_index("c")
    s = lax.axis_index("s")
    w = c * NS + s
    pltpu.sync_copy(z128_hbm.at[pl.ds(s * ROWS_PT, ROWS_PT)],
                    s_sh.at[pl.ds(s * ROWS_PT, ROWS_PT)])
    plsc.subcore_barrier()

    def _pair(i, carry):
        a = 2 * i

        @pl.when(i > 0)
        def _():
            pltpu.make_async_copy(rows0, s_sh.at[dst_v.at[0]], sem_s0).wait()

        pltpu.async_copy(g1_hbm.at[src_v.at[a]], rows0, sem_g0)

        @pl.when(i > 0)
        def _():
            pltpu.make_async_copy(g1_hbm.at[src_v.at[0]], rows1,
                                  sem_g1).wait()
            pltpu.async_copy(rows1, s_sh.at[dst_v.at[a - 1]], sem_s1,
                             add=True)
            pltpu.make_async_copy(rows1, s_sh.at[dst_v.at[0]], sem_s1).wait()

        pltpu.async_copy(g1_hbm.at[src_v.at[a + 1]], rows1, sem_g1)
        pltpu.make_async_copy(g1_hbm.at[src_v.at[0]], rows0, sem_g0).wait()
        pltpu.async_copy(rows0, s_sh.at[dst_v.at[a]], sem_s0, add=True)
        return carry

    for h in range(2):
        pltpu.sync_copy(src_hbm.at[w, pl.ds(h * SHALF, SHALF)], src_v)
        pltpu.sync_copy(dst_hbm.at[w, pl.ds(h * SHALF, SHALF)], dst_v)
        lax.fori_loop(0, SHALF // 2, _pair, 0)
        pltpu.make_async_copy(g1_hbm.at[src_v.at[0]], rows1, sem_g1).wait()
        pltpu.async_copy(rows1, s_sh.at[dst_v.at[SHALF - 1]], sem_s1,
                         add=True)
        pltpu.make_async_copy(rows0, s_sh.at[dst_v.at[0]], sem_s0).wait()
        pltpu.make_async_copy(rows1, s_sh.at[dst_v.at[0]], sem_s1).wait()

    plsc.subcore_barrier()
    pltpu.sync_copy(s_sh.at[pl.ds(s * ROWS_PT, ROWS_PT)],
                    s_out.at[c, pl.ds(s * ROWS_PT, ROWS_PT)])


BN = 1000
NBLK = N // BN


def _tc_mm_body(x_ref, w1_ref, h_ref):
    h_ref[...] = jnp.dot(x_ref[...], w1_ref[...],
                         preferred_element_type=jnp.float32)


_tc_mm = pl.pallas_call(
    _tc_mm_body,
    grid=(NBLK,),
    in_specs=[
        pl.BlockSpec((BN, D), lambda i: (i, 0)),
        pl.BlockSpec((D, D), lambda i: (0, 0)),
    ],
    out_specs=pl.BlockSpec((BN, D), lambda i: (i, 0)),
    out_shape=jax.ShapeDtypeStruct((N, D), jnp.float32),
)


def _tc_prep_body(h_ref, c0_ref, c1_ref, g1_ref, dinv_ref):
    deg = c0_ref[...] + c1_ref[...] + 1.0
    dinv = lax.rsqrt(deg)
    g1_ref[...] = h_ref[...] * dinv
    dinv_ref[...] = dinv


_tc_prep = pl.pallas_call(
    _tc_prep_body,
    grid=(NBLK,),
    in_specs=[
        pl.BlockSpec((BN, D), lambda i: (i, 0)),
        pl.BlockSpec((BN, 1), lambda i: (i, 0)),
        pl.BlockSpec((BN, 1), lambda i: (i, 0)),
    ],
    out_specs=[
        pl.BlockSpec((BN, D), lambda i: (i, 0)),
        pl.BlockSpec((BN, 1), lambda i: (i, 0)),
    ],
    out_shape=[
        jax.ShapeDtypeStruct((N, D), jnp.float32),
        jax.ShapeDtypeStruct((N, 1), jnp.float32),
    ],
)


def _tc_fin_body(s0_ref, s1_ref, g1_ref, dinv_ref, t0_ref, t1_ref, b1_ref,
                 w2_ref, b2_ref, out_ref, acc_ref):
    i = pl.program_id(0)

    @pl.when(i == 0)
    def _():
        acc_ref[...] = jnp.zeros_like(acc_ref)

    dv = dinv_ref[...]
    z = jnp.maximum((s0_ref[...] + s1_ref[...] + g1_ref[...]) * dv
                    + b1_ref[...], 0.0)
    t = t0_ref[...] + t1_ref[...]
    wv = dv * (t + dv)
    acc_ref[...] += jnp.sum(z * wv, axis=0, keepdims=True)

    @pl.when(i == NBLK - 1)
    def _():
        out_ref[...] = (
            jnp.dot(acc_ref[...] * (1.0 / N), w2_ref[...],
                    preferred_element_type=jnp.float32)
            + b2_ref[...]
        )


_tc_fin = pl.pallas_call(
    _tc_fin_body,
    grid=(NBLK,),
    in_specs=[
        pl.BlockSpec((BN, D), lambda i: (i, 0)),
        pl.BlockSpec((BN, D), lambda i: (i, 0)),
        pl.BlockSpec((BN, D), lambda i: (i, 0)),
        pl.BlockSpec((BN, 1), lambda i: (i, 0)),
        pl.BlockSpec((BN, 1), lambda i: (i, 0)),
        pl.BlockSpec((BN, 1), lambda i: (i, 0)),
        pl.BlockSpec((1, D), lambda i: (0, 0)),
        pl.BlockSpec((D, D), lambda i: (0, 0)),
        pl.BlockSpec((1, D), lambda i: (0, 0)),
    ],
    out_specs=pl.BlockSpec((1, D), lambda i: (0, 0)),
    out_shape=jax.ShapeDtypeStruct((1, D), jnp.float32),
    scratch_shapes=[pltpu.VMEM((1, D), jnp.float32)],
)


def kernel(x, edge_index, W1, b1, W2, b2):
    src = edge_index[0]
    dst = edge_index[1]
    pad = EP - E
    src_p = jnp.concatenate([src, jnp.zeros((pad,), jnp.int32)])
    dst_p = jnp.concatenate([dst, jnp.full((pad,), N, jnp.int32)])
    src3d = src_p.reshape(NW, NCH, CH)
    dst3d = dst_p.reshape(NW, NCH, CH)

    z128 = jnp.zeros((NACC, D), jnp.float32)
    iota80 = jnp.arange(NCH, dtype=jnp.int32).reshape(1, NCH)

    cnt = _sc_count(dst3d, z128, iota80)
    c0 = cnt[0].reshape(NACC, 1)[:N]
    c1 = cnt[1].reshape(NACC, 1)[:N]

    h1 = _tc_mm(x, W1)
    g1, dinv = _tc_prep(h1, c0, c1)

    dinvp = jnp.concatenate(
        [dinv.reshape(N), jnp.zeros((NACC - N,), jnp.float32)]).reshape(NCH, CH)

    t_part = _sc_tacc(dinvp, src3d, dst3d, z128, iota80)
    s_part = _sc_scatter(g1, src3d, dst3d, z128)

    out = _tc_fin(
        s_part[0, :N], s_part[1, :N], g1, dinv,
        t_part[0].reshape(NACC, 1)[:N], t_part[1].reshape(NACC, 1)[:N],
        b1.reshape(1, D), W2, b2.reshape(1, D),
    )
    return out

# --- scband reference (transcript-rebuilt; emitter-appended) ---
"""Pipeline reference for scband-graph-feature-extractor-42176578846743 (READ-ONLY COPY).

The authoritative reference and input builder live on the scoring server;
editing this copy changes nothing except your own understanding.
"""

import jax, jax.numpy as jnp
import numpy as np

N = 10000
E = 320000
D_IN = 128
D_H = 128
D_OUT = 128


def setup_inputs(seed: int = 0) -> dict:
    key = jax.random.key(seed)
    k1, k2, k3, k4 = jax.random.split(key, 4)
    x = jax.random.normal(k1, (N, D_IN), dtype=jnp.float32)
    edge_index = jax.random.randint(k2, (2, E), 0, N, dtype=jnp.int32)
    W1 = jax.random.normal(k3, (D_IN, D_H), dtype=jnp.float32) * (1.0 / np.sqrt(D_IN))
    b1 = jnp.zeros((D_H,), dtype=jnp.float32)
    W2 = jax.random.normal(k4, (D_H, D_OUT), dtype=jnp.float32) * (1.0 / np.sqrt(D_H))
    b2 = jnp.zeros((D_OUT,), dtype=jnp.float32)
    return {"x": x, "edge_index": edge_index, "W1": W1, "b1": b1, "W2": W2, "b2": b2}


def _gcn_conv(x, src, dst, W, b, num_nodes):
    # x' = D^{-1/2} (A + I) D^{-1/2} (x W) + b  (PyG GCNConv with add_self_loops=True)
    h = x @ W
    deg = jnp.zeros((num_nodes,), dtype=jnp.float32).at[dst].add(1.0)
    dinv = jnp.where(deg > 0, deg ** -0.5, 0.0)
    norm = dinv[src] * dinv[dst]
    msg = h[src] * norm[:, None]
    out = jnp.zeros((num_nodes, h.shape[1]), dtype=h.dtype).at[dst].add(msg)
    return out + b


def reference(x, edge_index, W1, b1, W2, b2):
    num_nodes = x.shape[0]
    loop = jnp.arange(num_nodes, dtype=edge_index.dtype)
    src = jnp.concatenate([edge_index[0], loop])
    dst = jnp.concatenate([edge_index[1], loop])
    h = jax.nn.relu(_gcn_conv(x, src, dst, W1, b1, num_nodes))
    h = _gcn_conv(h, src, dst, W2, b2, num_nodes)
    # batch is None -> global mean over all nodes
    return h.mean(axis=0, keepdims=True)

if __name__ == "__main__":
    import jax
    _d = setup_inputs()
    print(jax.jit(kernel)(*tuple(_d.values())))

</pallas_src>

<mosaic_0001>
#map = affine_map<(d0, d1) -> (0, 0, 0)>
#map1 = affine_map<(d0, d1) -> (0, 0)>
module attributes {stable_mosaic.version = 14 : i64} {
  func.func @_sc_count(%arg0: i32, %arg1: i32, %arg2: memref<32x80x128xi32, #tpu.memory_space<hbm>>, %arg3: memref<10240x128xf32, #tpu.memory_space<hbm>>, %arg4: memref<1x80xi32, #tpu.memory_space<hbm>>, %arg5: memref<2x80x128xf32, #tpu.memory_space<hbm>>, %arg6: memref<80x128xi32, #tpu.memory_space<vmem>>, %arg7: memref<80x128xf32, #tpu.memory_space<vmem>>, %arg8: memref<1x80xi32, #tpu.memory_space<vmem>>, %arg9: memref<16xi32, #tpu.memory_space<vmem>>, %arg10: memref<16xf32, #tpu.memory_space<vmem>>, %arg11: memref<80x128xf32, #tpu.memory_space<vmem_shared>>) attributes {dimension_semantics = [#tpu.dimension_semantics<core_parallel>, #tpu.dimension_semantics<subcore_parallel>], iteration_bounds = array<i64: 2, 16>, scalar_prefetch = 0 : i64, scratch_operands = 6 : i64, tpu.core_type = #tpu.core_type<sc_vector_subcore>, window_params = [{transform_indices = #map}, {transform_indices = #map1}, {transform_indices = #map1}, {transform_indices = #map}]} {
    %mul3A = arith.constant 16 : i32
    %mul3A_0 = arith.muli %arg0, %mul3A : i32
    %add3A = arith.addi %mul3A_0, %arg1 : i32
    "tpu.region"() ({
      %run_scoped3A_15 = tpu.sem_alloc : memref<!tpu.dma_semaphore, #tpu.memory_space<semaphore_mem>>
      %dma_start3A = arith.constant 0 : i32
      %dma_start3A_16 = arith.constant 0 : i32
      %dma_start3A_17 = tpu.memref_slice %arg2[%add3A, %dma_start3A, %dma_start3A_16] : memref<32x80x128xi32, #tpu.memory_space<hbm>> -> memref<1x80x128xi32, #tpu.memory_space<hbm>>
      %dma_start3A_18 = tpu.memref_squeeze %dma_start3A_17 : memref<1x80x128xi32, #tpu.memory_space<hbm>> -> memref<80x128xi32, #tpu.memory_space<hbm>>
      %dma_start3A_19 = arith.constant 0 : i32
      %dma_start3A_20 = arith.constant 0 : i32
      %dma_start3A_21 = tpu.memref_slice %arg2[%add3A, %dma_start3A_19, %dma_start3A_20] : memref<32x80x128xi32, #tpu.memory_space<hbm>> -> memref<1x80x128xi32, #tpu.memory_space<hbm>>
      %dma_start3A_22 = tpu.memref_squeeze %dma_start3A_21 : memref<1x80x128xi32, #tpu.memory_space<hbm>> -> memref<80x128xi32, #tpu.memory_space<hbm>>
      tpu.enqueue_dma source(%dma_start3A_22 : memref<80x128xi32, #tpu.memory_space<hbm>>) target(%arg6 : memref<80x128xi32, #tpu.memory_space<vmem>>) target_semaphore(%run_scoped3A_15 : memref<!tpu.dma_semaphore, #tpu.memory_space<semaphore_mem>>)
      %dma_wait3A = arith.constant 0 : i32
      %dma_wait3A_23 = arith.constant 0 : i32
      %dma_wait3A_24 = tpu.memref_slice %arg2[%add3A, %dma_wait3A, %dma_wait3A_23] : memref<32x80x128xi32, #tpu.memory_space<hbm>> -> memref<1x80x128xi32, #tpu.memory_space<hbm>>
      %dma_wait3A_25 = tpu.memref_squeeze %dma_wait3A_24 : memref<1x80x128xi32, #tpu.memory_space<hbm>> -> memref<80x128xi32, #tpu.memory_space<hbm>>
      %dma_wait3A_26 = arith.constant 0 : i32
      %dma_wait3A_27 = arith.constant 0 : i32
      %dma_wait3A_28 = tpu.memref_slice %arg2[%add3A, %dma_wait3A_26, %dma_wait3A_27] : memref<32x80x128xi32, #tpu.memory_space<hbm>> -> memref<1x80x128xi32, #tpu.memory_space<hbm>>
      %dma_wait3A_29 = tpu.memref_squeeze %dma_wait3A_28 : memref<1x80x128xi32, #tpu.memory_space<hbm>> -> memref<80x128xi32, #tpu.memory_space<hbm>>
      tpu.wait_dma2 semaphore(%run_scoped3A_15 : memref<!tpu.dma_semaphore, #tpu.memory_space<semaphore_mem>>) src(%dma_wait3A_29 : memref<80x128xi32, #tpu.memory_space<hbm>>) dst(%arg6 : memref<80x128xi32, #tpu.memory_space<vmem>>)
      tpu.yield
    }) : () -> ()
    "tpu.region"() ({
      %run_scoped3A_15 = tpu.sem_alloc : memref<!tpu.dma_semaphore, #tpu.memory_space<semaphore_mem>>
      %dma_start3A = arith.constant 0 : i32
      %dma_start3A_16 = arith.constant 0 : i32
      %dma_start3A_17 = tpu.memref_slice %arg3[%dma_start3A, %dma_start3A_16] : memref<10240x128xf32, #tpu.memory_space<hbm>> -> memref<80x128xf32, #tpu.memory_space<hbm>>
      %dma_start3A_18 = arith.constant 0 : i32
      %dma_start3A_19 = arith.constant 0 : i32
      %dma_start3A_20 = tpu.memref_slice %arg3[%dma_start3A_18, %dma_start3A_19] : memref<10240x128xf32, #tpu.memory_space<hbm>> -> memref<80x128xf32, #tpu.memory_space<hbm>>
      tpu.enqueue_dma source(%dma_start3A_20 : memref<80x128xf32, #tpu.memory_space<hbm>>) target(%arg7 : memref<80x128xf32, #tpu.memory_space<vmem>>) target_semaphore(%run_scoped3A_15 : memref<!tpu.dma_semaphore, #tpu.memory_space<semaphore_mem>>)
      %dma_wait3A = arith.constant 0 : i32
      %dma_wait3A_21 = arith.constant 0 : i32
      %dma_wait3A_22 = tpu.memref_slice %arg3[%dma_wait3A, %dma_wait3A_21] : memref<10240x128xf32, #tpu.memory_space<hbm>> -> memref<80x128xf32, #tpu.memory_space<hbm>>
      %dma_wait3A_23 = arith.constant 0 : i32
      %dma_wait3A_24 = arith.constant 0 : i32
      %dma_wait3A_25 = tpu.memref_slice %arg3[%dma_wait3A_23, %dma_wait3A_24] : memref<10240x128xf32, #tpu.memory_space<hbm>> -> memref<80x128xf32, #tpu.memory_space<hbm>>
      tpu.wait_dma2 semaphore(%run_scoped3A_15 : memref<!tpu.dma_semaphore, #tpu.memory_space<semaphore_mem>>) src(%dma_wait3A_25 : memref<80x128xf32, #tpu.memory_space<hbm>>) dst(%arg7 : memref<80x128xf32, #tpu.memory_space<vmem>>)
      tpu.yield
    }) : () -> ()
    %lt3A = arith.constant 10 : i32
    %lt3A_1 = arith.cmpi slt, %arg1, %lt3A : i32
    %convert_element_type3A = arith.extui %lt3A_1 : i1 to i32
    %cond3A = arith.constant 0 : i32
    %cond3A_2 = arith.cmpi ne, %convert_element_type3A, %cond3A : i32
    scf.if %cond3A_2 {
      %mul3A_15 = arith.constant 8 : i32
      %mul3A_16 = arith.muli %arg1, %mul3A_15 : i32
      %mul3A_17 = arith.constant 8 : i32
      %mul3A_18 = arith.muli %arg1, %mul3A_17 : i32
      "tpu.region"() ({
        %run_scoped3A_19 = tpu.sem_alloc : memref<!tpu.dma_semaphore, #tpu.memory_space<semaphore_mem>>
        %dma_start3A = arith.constant 0 : i32
        %dma_start3A_20 = tpu.memref_slice %arg11[%mul3A_18, %dma_start3A] : memref<80x128xf32, #tpu.memory_space<vmem_shared>> -> memref<8x128xf32, #tpu.memory_space<vmem_shared>>
        %dma_start3A_21 = arith.constant 0 : i32
        %dma_start3A_22 = tpu.memref_slice %arg3[%mul3A_16, %dma_start3A_21] : memref<10240x128xf32, #tpu.memory_space<hbm>> -> memref<8x128xf32, #tpu.memory_space<hbm>>
        tpu.enqueue_dma source(%dma_start3A_22 : memref<8x128xf32, #tpu.memory_space<hbm>>) target(%dma_start3A_20 : memref<8x128xf32, #tpu.memory_space<vmem_shared>>) target_semaphore(%run_scoped3A_19 : memref<!tpu.dma_semaphore, #tpu.memory_space<semaphore_mem>>)
        %dma_wait3A = arith.constant 0 : i32
        %dma_wait3A_23 = tpu.memref_slice %arg11[%mul3A_18, %dma_wait3A] : memref<80x128xf32, #tpu.memory_space<vmem_shared>> -> memref<8x128xf32, #tpu.memory_space<vmem_shared>>
        %dma_wait3A_24 = arith.constant 0 : i32
        %dma_wait3A_25 = tpu.memref_slice %arg3[%mul3A_16, %dma_wait3A_24] : memref<10240x128xf32, #tpu.memory_space<hbm>> -> memref<8x128xf32, #tpu.memory_space<hbm>>
        tpu.wait_dma2 semaphore(%run_scoped3A_19 : memref<!tpu.dma_semaphore, #tpu.memory_space<semaphore_mem>>) src(%dma_wait3A_25 : memref<8x128xf32, #tpu.memory_space<hbm>>) dst(%dma_wait3A_23 : memref<8x128xf32, #tpu.memory_space<vmem_shared>>)
        tpu.yield
      }) : () -> ()
    } else {
    }
    "tpu.region"() ({
      %run_scoped3A_15 = tpu.sem_alloc : memref<!tpu.dma_semaphore, #tpu.memory_space<semaphore_mem>>
      tpu.enqueue_dma source(%arg4 : memref<1x80xi32, #tpu.memory_space<hbm>>) target(%arg8 : memref<1x80xi32, #tpu.memory_space<vmem>>) target_semaphore(%run_scoped3A_15 : memref<!tpu.dma_semaphore, #tpu.memory_space<semaphore_mem>>)
      tpu.wait_dma2 semaphore(%run_scoped3A_15 : memref<!tpu.dma_semaphore, #tpu.memory_space<semaphore_mem>>) src(%arg4 : memref<1x80xi32, #tpu.memory_space<hbm>>) dst(%arg8 : memref<1x80xi32, #tpu.memory_space<vmem>>)
      tpu.yield
    }) : () -> ()
    %barrier3A = arith.constant 0 : index
    tpu.barrier barrier_id(%barrier3A)
    %broadcast_in_dim3A = arith.constant 1.000000e+00 : f32
    %broadcast_in_dim3A_3 = vector.broadcast %broadcast_in_dim3A : f32 to vector<16xf32>
    %scan3A = arith.constant 0 : i32
    %scan3A_4 = arith.constant 0 : i32
    %scan3A_5 = arith.constant 640 : i32
    %scan3A_6 = arith.addi %scan3A_4, %scan3A_5 : i32
    %scan3A_7 = arith.constant 1 : i32
    scf.for %scan3A_15 = %scan3A_4 to %scan3A_6 step %scan3A_7  : i32 {
      %jit3A = arith.constant 8 : i32
      %div3A = arith.divsi %scan3A_15, %jit3A : i32
      %sign3A = arith.constant 0 : i32
      %sign3A_16 = arith.cmpi sgt, %scan3A_15, %sign3A : i32
      %sign3A_17 = arith.extui %sign3A_16 : i1 to i32
      %sign3A_18 = arith.constant 0 : i32
      %sign3A_19 = arith.cmpi slt, %scan3A_15, %sign3A_18 : i32
      %sign3A_20 = arith.extui %sign3A_19 : i1 to i32
      %sign3A_21 = arith.subi %sign3A_17, %sign3A_20 : i32
      %sign3A_22 = arith.constant 0 : i32
      %sign3A_23 = arith.cmpi sgt, %jit3A, %sign3A_22 : i32
      %sign3A_24 = arith.extui %sign3A_23 : i1 to i32
      %sign3A_25 = arith.constant 0 : i32
      %sign3A_26 = arith.cmpi slt, %jit3A, %sign3A_25 : i32
      %sign3A_27 = arith.extui %sign3A_26 : i1 to i32
      %sign3A_28 = arith.subi %sign3A_24, %sign3A_27 : i32
      %ne3A = arith.cmpi ne, %sign3A_21, %sign3A_28 : i32
      %rem3A = arith.remsi %scan3A_15, %jit3A : i32
      %ne3A_29 = arith.constant 0 : i32
      %ne3A_30 = arith.cmpi ne, %rem3A, %ne3A_29 : i32
      %and3A = arith.andi %ne3A, %ne3A_30 : i1
      %sub3A = arith.constant 1 : i32
      %sub3A_31 = arith.subi %div3A, %sub3A : i32
      %select_n3A = arith.select %and3A, %sub3A_31, %div3A : i32
      %jit3A_32 = arith.constant 8 : i32
      %eq3A = arith.constant 0 : i32
      %eq3A_33 = arith.cmpi eq, %jit3A_32, %eq3A : i32
      %jit3A_34 = arith.constant 1 : i32
      %select_n3A_35 = arith.select %eq3A_33, %jit3A_34, %jit3A_32 : i32
      %rem3A_36 = arith.remsi %scan3A_15, %select_n3A_35 : i32
      %ne3A_37 = arith.constant 0 : i32
      %ne3A_38 = arith.cmpi ne, %rem3A_36, %ne3A_37 : i32
      %lt3A_39 = arith.constant 0 : i32
      %lt3A_40 = arith.cmpi slt, %rem3A_36, %lt3A_39 : i32
      %lt3A_41 = arith.constant 0 : i32
      %lt3A_42 = arith.cmpi slt, %select_n3A_35, %lt3A_41 : i32
      %ne3A_43 = arith.xori %lt3A_40, %lt3A_42 : i1
      %and3A_44 = arith.andi %ne3A_43, %ne3A_38 : i1
      %add3A_45 = arith.addi %rem3A_36, %select_n3A_35 : i32
      %select_n3A_46 = arith.select %and3A_44, %add3A_45, %rem3A_36 : i32
      %mul3A_47 = arith.constant 16 : i32
      %mul3A_48 = arith.muli %select_n3A_46, %mul3A_47 : i32
      %get3A = arith.index_cast %select_n3A : i32 to index
      %get3A_49 = arith.index_cast %mul3A_48 : i32 to index
      %get3A_50 = tpu.vector_load %arg6[%get3A, %get3A_49] {strides = array<i32>} : memref<80x128xi32, #tpu.memory_space<vmem>>, vector<16xi32>,
      %iota3A = tpu.iota {dimensions = array<i32: 0>} : vector<16xi32>
      %masked_sort3A = arith.constant dense<true> : vector<16xi1>
      %masked_sort3A_51 = arith.constant -2147483648 : i32
      %masked_sort3A_52 = vector.broadcast %masked_sort3A_51 : i32 to vector<16xi32>
      %masked_sort3A_53 = arith.xori %get3A_50, %masked_sort3A_52 : vector<16xi32>
      %masked_sort3A_54, %masked_sort3A_55, %masked_sort3A_56 = tpu.sort %masked_sort3A_53, %broadcast_in_dim3A_3 masked %masked_sort3A : (vector<16xi32>, vector<16xf32>, vector<16xi1>) -> (vector<16xi1>, vector<16xi32>, vector<16xf32>)
      %masked_sort3A_57 = arith.xori %masked_sort3A_55, %masked_sort3A_52 : vector<16xi32>
      %swap3A = arith.constant 0 : index
      %swap3A_58 = tpu.vector_load %arg9[%swap3A] {strides = array<i32>} : memref<16xi32, #tpu.memory_space<vmem>>, vector<16xi32>,
      tpu.vector_store %arg9[%swap3A], %masked_sort3A_57 {strides = array<i32>} : memref<16xi32, #tpu.memory_space<vmem>>, vector<16xi32>,
      %add3A_59 = arith.constant 1 : i32
      %add3A_60 = vector.broadcast %add3A_59 : i32 to vector<16xi32>
      %add3A_61 = arith.addi %iota3A, %add3A_60 : vector<16xi32>
      %min3A = arith.constant 15 : i32
      %min3A_62 = vector.broadcast %min3A : i32 to vector<16xi32>
      %min3A_63 = arith.minsi %add3A_61, %min3A_62 : vector<16xi32>
      %gather3A = tpu.vector_load_idx %arg9[%min3A_63] : memref<16xi32, #tpu.memory_space<vmem>>[vector<16xi32>], vector<16xi32>,
      %ne3A_64 = arith.cmpi ne, %masked_sort3A_57, %gather3A : vector<16xi32>
      %eq3A_65 = arith.constant 15 : i32
      %eq3A_66 = vector.broadcast %eq3A_65 : i32 to vector<16xi32>
      %eq3A_67 = arith.cmpi eq, %iota3A, %eq3A_66 : vector<16xi32>
      %or3A = arith.ori %ne3A_64, %eq3A_67 : vector<16xi1>
      %broadcast_in_dim3A_68 = arith.constant true
      %broadcast_in_dim3A_69 = vector.broadcast %broadcast_in_dim3A_68 : i1 to vector<16xi1>
      %masked_cumsum3A = tpu.scan <sum>, %masked_sort3A_56 masked %broadcast_in_dim3A_69 : vector<16xf32>, vector<16xi1> -> vector<16xf32>
      %jit3A_70 = arith.constant 0.000000e+00 : f32
      %broadcast_in_dim3A_71 = vector.broadcast %jit3A_70 : f32 to vector<16xf32>
      %select_n3A_72 = arith.select %or3A, %masked_cumsum3A, %broadcast_in_dim3A_71 : vector<16xi1>, vector<16xf32>
      %broadcast_in_dim3A_73 = arith.constant true
      %broadcast_in_dim3A_74 = vector.broadcast %broadcast_in_dim3A_73 : i1 to vector<16xi1>
      %masked_cummax3A = tpu.scan <max>, %select_n3A_72 masked %broadcast_in_dim3A_74 : vector<16xf32>, vector<16xi1> -> vector<16xf32>
      %swap3A_75 = arith.constant 0 : index
      %swap3A_76 = tpu.vector_load %arg10[%swap3A_75] {strides = array<i32>} : memref<16xf32, #tpu.memory_space<vmem>>, vector<16xf32>,
      tpu.vector_store %arg10[%swap3A_75], %masked_cummax3A {strides = array<i32>} : memref<16xf32, #tpu.memory_space<vmem>>, vector<16xf32>,
      %sub3A_77 = arith.constant 1 : i32
      %sub3A_78 = vector.broadcast %sub3A_77 : i32 to vector<16xi32>
      %sub3A_79 = arith.subi %iota3A, %sub3A_78 : vector<16xi32>
      %max3A = arith.constant 0 : i32
      %max3A_80 = vector.broadcast %max3A : i32 to vector<16xi32>
      %max3A_81 = arith.maxsi %sub3A_79, %max3A_80 : vector<16xi32>
      %gather3A_82 = tpu.vector_load_idx %arg10[%max3A_81] : memref<16xf32, #tpu.memory_space<vmem>>[vector<16xi32>], vector<16xf32>,
      %eq3A_83 = arith.constant 0 : i32
      %eq3A_84 = vector.broadcast %eq3A_83 : i32 to vector<16xi32>
      %eq3A_85 = arith.cmpi eq, %iota3A, %eq3A_84 : vector<16xi32>
      %jit3A_86 = arith.constant 0.000000e+00 : f32
      %broadcast_in_dim3A_87 = vector.broadcast %jit3A_86 : f32 to vector<16xf32>
      %select_n3A_88 = arith.select %eq3A_85, %broadcast_in_dim3A_87, %gather3A_82 : vector<16xi1>, vector<16xf32>
      %sub3A_89 = arith.subf %masked_cumsum3A, %select_n3A_88 : vector<16xf32>
      %shift_right_logical3A = arith.constant 7 : i32
      %shift_right_logical3A_90 = vector.broadcast %shift_right_logical3A : i32 to vector<16xi32>
      %shift_right_logical3A_91 = arith.shrui %masked_sort3A_57, %shift_right_logical3A_90 : vector<16xi32>
      %and3A_92 = arith.constant 127 : i32
      %and3A_93 = vector.broadcast %and3A_92 : i32 to vector<16xi32>
      %and3A_94 = arith.andi %masked_sort3A_57, %and3A_93 : vector<16xi32>
      tpu.vector_store_idx %arg7[%shift_right_logical3A_91, %and3A_94], %sub3A_89 masked %or3A {add = true} : memref<80x128xf32, #tpu.memory_space<vmem>>[vector<16xi32>, vector<16xi32>], vector<16xf32>, vector<16xi1>
    }
    %scan3A_8 = arith.constant 640 : i32
    %run_scoped3A = arith.constant 0 : i32
    "tpu.region"() ({
      %run_scoped3A_15 = tpu.sem_alloc : memref<!tpu.dma_semaphore, #tpu.memory_space<semaphore_mem>>
      %dma_start3A = arith.constant 0 : i32
      %dma_start3A_16 = tpu.memref_slice %arg8[%run_scoped3A, %dma_start3A] : memref<1x80xi32, #tpu.memory_space<vmem>> -> memref<1x80xi32, #tpu.memory_space<vmem>>
      %dma_start3A_17 = tpu.memref_squeeze %dma_start3A_16 : memref<1x80xi32, #tpu.memory_space<vmem>> -> memref<80xi32, #tpu.memory_space<vmem>>
      %dma_start3A_18 = arith.constant 0 : i32
      %dma_start3A_19 = arith.constant 0 : i32
      %dma_start3A_20 = tpu.memref_slice %arg11[%dma_start3A_18, %dma_start3A_19] : memref<80x128xf32, #tpu.memory_space<vmem_shared>> -> memref<80x128xf32, #tpu.memory_space<vmem_shared>>
      tpu.enqueue_indirect_dma source(%arg7 : memref<80x128xf32, #tpu.memory_space<vmem>>) target(%dma_start3A_20 : memref<80x128xf32, #tpu.memory_space<vmem_shared>>) offsets(%dma_start3A_17 : memref<80xi32, #tpu.memory_space<vmem>>) semaphore(%run_scoped3A_15 : memref<!tpu.dma_semaphore, #tpu.memory_space<semaphore_mem>>) {add = true}
      %dma_wait3A = arith.constant 0 : i32
      %dma_wait3A_21 = tpu.memref_slice %arg8[%run_scoped3A, %dma_wait3A] : memref<1x80xi32, #tpu.memory_space<vmem>> -> memref<1x80xi32, #tpu.memory_space<vmem>>
      %dma_wait3A_22 = tpu.memref_squeeze %dma_wait3A_21 : memref<1x80xi32, #tpu.memory_space<vmem>> -> memref<80xi32, #tpu.memory_space<vmem>>
      %dma_wait3A_23 = arith.constant 0 : i32
      %dma_wait3A_24 = arith.constant 0 : i32
      %dma_wait3A_25 = tpu.memref_slice %arg11[%dma_wait3A_23, %dma_wait3A_24] : memref<80x128xf32, #tpu.memory_space<vmem_shared>> -> memref<80x128xf32, #tpu.memory_space<vmem_shared>>
      tpu.wait_indirect_dma semaphore(%run_scoped3A_15 : memref<!tpu.dma_semaphore, #tpu.memory_space<semaphore_mem>>) src(%arg7 : memref<80x128xf32, #tpu.memory_space<vmem>>) dst(%dma_wait3A_25 : memref<80x128xf32, #tpu.memory_space<vmem_shared>>)
      tpu.yield
    }) : () -> ()
    %barrier3A_9 = arith.constant 0 : index
    tpu.barrier barrier_id(%barrier3A_9)
    %lt3A_10 = arith.constant 10 : i32
    %lt3A_11 = arith.cmpi slt, %arg1, %lt3A_10 : i32
    %convert_element_type3A_12 = arith.extui %lt3A_11 : i1 to i32
    %cond3A_13 = arith.constant 0 : i32
    %cond3A_14 = arith.cmpi ne, %convert_element_type3A_12, %cond3A_13 : i32
    scf.if %cond3A_14 {
      %mul3A_15 = arith.constant 8 : i32
      %mul3A_16 = arith.muli %arg1, %mul3A_15 : i32
      %mul3A_17 = arith.constant 8 : i32
      %mul3A_18 = arith.muli %arg1, %mul3A_17 : i32
      "tpu.region"() ({
        %run_scoped3A_19 = tpu.sem_alloc : memref<!tpu.dma_semaphore, #tpu.memory_space<semaphore_mem>>
        %dma_start3A = arith.constant 0 : i32
        %dma_start3A_20 = tpu.memref_slice %arg5[%arg0, %mul3A_18, %dma_start3A] : memref<2x80x128xf32, #tpu.memory_space<hbm>> -> memref<1x8x128xf32, #tpu.memory_space<hbm>>
        %dma_start3A_21 = tpu.memref_squeeze %dma_start3A_20 : memref<1x8x128xf32, #tpu.memory_space<hbm>> -> memref<8x128xf32, #tpu.memory_space<hbm>>
        %dma_start3A_22 = arith.constant 0 : i32
        %dma_start3A_23 = tpu.memref_slice %arg11[%mul3A_16, %dma_start3A_22] : memref<80x128xf32, #tpu.memory_space<vmem_shared>> -> memref<8x128xf32, #tpu.memory_space<vmem_shared>>
        tpu.enqueue_dma source(%dma_start3A_23 : memref<8x128xf32, #tpu.memory_space<vmem_shared>>) target(%dma_start3A_21 : memref<8x128xf32, #tpu.memory_space<hbm>>) target_semaphore(%run_scoped3A_19 : memref<!tpu.dma_semaphore, #tpu.memory_space<semaphore_mem>>)
        %dma_wait3A = arith.constant 0 : i32
        %dma_wait3A_24 = tpu.memref_slice %arg5[%arg0, %mul3A_18, %dma_wait3A] : memref<2x80x128xf32, #tpu.memory_space<hbm>> -> memref<1x8x128xf32, #tpu.memory_space<hbm>>
        %dma_wait3A_25 = tpu.memref_squeeze %dma_wait3A_24 : memref<1x8x128xf32, #tpu.memory_space<hbm>> -> memref<8x128xf32, #tpu.memory_space<hbm>>
        %dma_wait3A_26 = arith.constant 0 : i32
        %dma_wait3A_27 = tpu.memref_slice %arg11[%mul3A_16, %dma_wait3A_26] : memref<80x128xf32, #tpu.memory_space<vmem_shared>> -> memref<8x128xf32, #tpu.memory_space<vmem_shared>>
        tpu.wait_dma2 semaphore(%run_scoped3A_19 : memref<!tpu.dma_semaphore, #tpu.memory_space<semaphore_mem>>) src(%dma_wait3A_27 : memref<8x128xf32, #tpu.memory_space<vmem_shared>>) dst(%dma_wait3A_25 : memref<8x128xf32, #tpu.memory_space<hbm>>)
        tpu.yield
      }) : () -> ()
    } else {
    }
    return
  }
}

#map = affine_map<(d0, d1) -> (0, 0)>
#map1 = affine_map<(d0, d1) -> (0, 0, 0)>
module attributes {stable_mosaic.version = 14 : i64} {
  func.func @_sc_tacc(%arg0: i32, %arg1: i32, %arg2: memref<80x128xf32, #tpu.memory_space<hbm>>, %arg3: memref<32x80x128xi32, #tpu.memory_space<hbm>>, %arg4: memref<32x80x128xi32, #tpu.memory_space<hbm>>, %arg5: memref<10240x128xf32, #tpu.memory_space<hbm>>, %arg6: memref<1x80xi32, #tpu.memory_space<hbm>>, %arg7: memref<2x80x128xf32, #tpu.memory_space<hbm>>, %arg8: memref<80x128xi32, #tpu.memory_space<vmem>>, %arg9: memref<80x128xi32, #tpu.memory_space<vmem>>, %arg10: memref<80x128xf32, #tpu.memory_space<vmem>>, %arg11: memref<80x128xf32, #tpu.memory_space<vmem>>, %arg12: memref<1x80xi32, #tpu.memory_space<vmem>>, %arg13: memref<16xi32, #tpu.memory_space<vmem>>, %arg14: memref<16xf32, #tpu.memory_space<vmem>>, %arg15: memref<80x128xf32, #tpu.memory_space<vmem_shared>>) attributes {dimension_semantics = [#tpu.dimension_semantics<core_parallel>, #tpu.dimension_semantics<subcore_parallel>], iteration_bounds = array<i64: 2, 16>, scalar_prefetch = 0 : i64, scratch_operands = 8 : i64, tpu.core_type = #tpu.core_type<sc_vector_subcore>, window_params = [{transform_indices = #map}, {transform_indices = #map1}, {transform_indices = #map1}, {transform_indices = #map}, {transform_indices = #map}, {transform_indices = #map1}]} {
    %mul3A = arith.constant 16 : i32
    %mul3A_0 = arith.muli %arg0, %mul3A : i32
    %add3A = arith.addi %mul3A_0, %arg1 : i32
    "tpu.region"() ({
      %run_scoped3A_14 = tpu.sem_alloc : memref<!tpu.dma_semaphore, #tpu.memory_space<semaphore_mem>>
      %dma_start3A = arith.constant 0 : i32
      %dma_start3A_15 = arith.constant 0 : i32
      %dma_start3A_16 = tpu.memref_slice %arg3[%add3A, %dma_start3A, %dma_start3A_15] : memref<32x80x128xi32, #tpu.memory_space<hbm>> -> memref<1x80x128xi32, #tpu.memory_space<hbm>>
      %dma_start3A_17 = tpu.memref_squeeze %dma_start3A_16 : memref<1x80x128xi32, #tpu.memory_space<hbm>> -> memref<80x128xi32, #tpu.memory_space<hbm>>
      %dma_start3A_18 = arith.constant 0 : i32
      %dma_start3A_19 = arith.constant 0 : i32
      %dma_start3A_20 = tpu.memref_slice %arg3[%add3A, %dma_start3A_18, %dma_start3A_19] : memref<32x80x128xi32, #tpu.memory_space<hbm>> -> memref<1x80x128xi32, #tpu.memory_space<hbm>>
      %dma_start3A_21 = tpu.memref_squeeze %dma_start3A_20 : memref<1x80x128xi32, #tpu.memory_space<hbm>> -> memref<80x128xi32, #tpu.memory_space<hbm>>
      tpu.enqueue_dma source(%dma_start3A_21 : memref<80x128xi32, #tpu.memory_space<hbm>>) target(%arg8 : memref<80x128xi32, #tpu.memory_space<vmem>>) target_semaphore(%run_scoped3A_14 : memref<!tpu.dma_semaphore, #tpu.memory_space<semaphore_mem>>)
      %dma_wait3A = arith.constant 0 : i32
      %dma_wait3A_22 = arith.constant 0 : i32
      %dma_wait3A_23 = tpu.memref_slice %arg3[%add3A, %dma_wait3A, %dma_wait3A_22] : memref<32x80x128xi32, #tpu.memory_space<hbm>> -> memref<1x80x128xi32, #tpu.memory_space<hbm>>
      %dma_wait3A_24 = tpu.memref_squeeze %dma_wait3A_23 : memref<1x80x128xi32, #tpu.memory_space<hbm>> -> memref<80x128xi32, #tpu.memory_space<hbm>>
      %dma_wait3A_25 = arith.constant 0 : i32
      %dma_wait3A_26 = arith.constant 0 : i32
      %dma_wait3A_27 = tpu.memref_slice %arg3[%add3A, %dma_wait3A_25, %dma_wait3A_26] : memref<32x80x128xi32, #tpu.memory_space<hbm>> -> memref<1x80x128xi32, #tpu.memory_space<hbm>>
      %dma_wait3A_28 = tpu.memref_squeeze %dma_wait3A_27 : memref<1x80x128xi32, #tpu.memory_space<hbm>> -> memref<80x128xi32, #tpu.memory_space<hbm>>
      tpu.wait_dma2 semaphore(%run_scoped3A_14 : memref<!tpu.dma_semaphore, #tpu.memory_space<semaphore_mem>>) src(%dma_wait3A_28 : memref<80x128xi32, #tpu.memory_space<hbm>>) dst(%arg8 : memref<80x128xi32, #tpu.memory_space<vmem>>)
      tpu.yield
    }) : () -> ()
    "tpu.region"() ({
      %run_scoped3A_14 = tpu.sem_alloc : memref<!tpu.dma_semaphore, #tpu.memory_space<semaphore_mem>>
      %dma_start3A = arith.constant 0 : i32
      %dma_start3A_15 = arith.constant 0 : i32
      %dma_start3A_16 = tpu.memref_slice %arg4[%add3A, %dma_start3A, %dma_start3A_15] : memref<32x80x128xi32, #tpu.memory_space<hbm>> -> memref<1x80x128xi32, #tpu.memory_space<hbm>>
      %dma_start3A_17 = tpu.memref_squeeze %dma_start3A_16 : memref<1x80x128xi32, #tpu.memory_space<hbm>> -> memref<80x128xi32, #tpu.memory_space<hbm>>
      %dma_start3A_18 = arith.constant 0 : i32
      %dma_start3A_19 = arith.constant 0 : i32
      %dma_start3A_20 = tpu.memref_slice %arg4[%add3A, %dma_start3A_18, %dma_start3A_19] : memref<32x80x128xi32, #tpu.memory_space<hbm>> -> memref<1x80x128xi32, #tpu.memory_space<hbm>>
      %dma_start3A_21 = tpu.memref_squeeze %dma_start3A_20 : memref<1x80x128xi32, #tpu.memory_space<hbm>> -> memref<80x128xi32, #tpu.memory_space<hbm>>
      tpu.enqueue_dma source(%dma_start3A_21 : memref<80x128xi32, #tpu.memory_space<hbm>>) target(%arg9 : memref<80x128xi32, #tpu.memory_space<vmem>>) target_semaphore(%run_scoped3A_14 : memref<!tpu.dma_semaphore, #tpu.memory_space<semaphore_mem>>)
      %dma_wait3A = arith.constant 0 : i32
      %dma_wait3A_22 = arith.constant 0 : i32
      %dma_wait3A_23 = tpu.memref_slice %arg4[%add3A, %dma_wait3A, %dma_wait3A_22] : memref<32x80x128xi32, #tpu.memory_space<hbm>> -> memref<1x80x128xi32, #tpu.memory_space<hbm>>
      %dma_wait3A_24 = tpu.memref_squeeze %dma_wait3A_23 : memref<1x80x128xi32, #tpu.memory_space<hbm>> -> memref<80x128xi32, #tpu.memory_space<hbm>>
      %dma_wait3A_25 = arith.constant 0 : i32
      %dma_wait3A_26 = arith.constant 0 : i32
      %dma_wait3A_27 = tpu.memref_slice %arg4[%add3A, %dma_wait3A_25, %dma_wait3A_26] : memref<32x80x128xi32, #tpu.memory_space<hbm>> -> memref<1x80x128xi32, #tpu.memory_space<hbm>>
      %dma_wait3A_28 = tpu.memref_squeeze %dma_wait3A_27 : memref<1x80x128xi32, #tpu.memory_space<hbm>> -> memref<80x128xi32, #tpu.memory_space<hbm>>
      tpu.wait_dma2 semaphore(%run_scoped3A_14 : memref<!tpu.dma_semaphore, #tpu.memory_space<semaphore_mem>>) src(%dma_wait3A_28 : memref<80x128xi32, #tpu.memory_space<hbm>>) dst(%arg9 : memref<80x128xi32, #tpu.memory_space<vmem>>)
      tpu.yield
    }) : () -> ()
    "tpu.region"() ({
      %run_scoped3A_14 = tpu.sem_alloc : memref<!tpu.dma_semaphore, #tpu.memory_space<semaphore_mem>>
      tpu.enqueue_dma source(%arg2 : memref<80x128xf32, #tpu.memory_space<hbm>>) target(%arg10 : memref<80x128xf32, #tpu.memory_space<vmem>>) target_semaphore(%run_scoped3A_14 : memref<!tpu.dma_semaphore, #tpu.memory_space<semaphore_mem>>)
      tpu.wait_dma2 semaphore(%run_scoped3A_14 : memref<!tpu.dma_semaphore, #tpu.memory_space<semaphore_mem>>) src(%arg2 : memref<80x128xf32, #tpu.memory_space<hbm>>) dst(%arg10 : memref<80x128xf32, #tpu.memory_space<vmem>>)
      tpu.yield
    }) : () -> ()
    "tpu.region"() ({
      %run_scoped3A_14 = tpu.sem_alloc : memref<!tpu.dma_semaphore, #tpu.memory_space<semaphore_mem>>
      %dma_start3A = arith.constant 0 : i32
      %dma_start3A_15 = arith.constant 0 : i32
      %dma_start3A_16 = tpu.memref_slice %arg5[%dma_start3A, %dma_start3A_15] : memref<10240x128xf32, #tpu.memory_space<hbm>> -> memref<80x128xf32, #tpu.memory_space<hbm>>
      %dma_start3A_17 = arith.constant 0 : i32
      %dma_start3A_18 = arith.constant 0 : i32
      %dma_start3A_19 = tpu.memref_slice %arg5[%dma_start3A_17, %dma_start3A_18] : memref<10240x128xf32, #tpu.memory_space<hbm>> -> memref<80x128xf32, #tpu.memory_space<hbm>>
      tpu.enqueue_dma source(%dma_start3A_19 : memref<80x128xf32, #tpu.memory_space<hbm>>) target(%arg11 : memref<80x128xf32, #tpu.memory_space<vmem>>) target_semaphore(%run_scoped3A_14 : memref<!tpu.dma_semaphore, #tpu.memory_space<semaphore_mem>>)
      %dma_wait3A = arith.constant 0 : i32
      %dma_wait3A_20 = arith.constant 0 : i32
      %dma_wait3A_21 = tpu.memref_slice %arg5[%dma_wait3A, %dma_wait3A_20] : memref<10240x128xf32, #tpu.memory_space<hbm>> -> memref<80x128xf32, #tpu.memory_space<hbm>>
      %dma_wait3A_22 = arith.constant 0 : i32
      %dma_wait3A_23 = arith.constant 0 : i32
      %dma_wait3A_24 = tpu.memref_slice %arg5[%dma_wait3A_22, %dma_wait3A_23] : memref<10240x128xf32, #tpu.memory_space<hbm>> -> memref<80x128xf32, #tpu.memory_space<hbm>>
      tpu.wait_dma2 semaphore(%run_scoped3A_14 : memref<!tpu.dma_semaphore, #tpu.memory_space<semaphore_mem>>) src(%dma_wait3A_24 : memref<80x128xf32, #tpu.memory_space<hbm>>) dst(%arg11 : memref<80x128xf32, #tpu.memory_space<vmem>>)
      tpu.yield
    }) : () -> ()
    %lt3A = arith.constant 10 : i32
    %lt3A_1 = arith.cmpi slt, %arg1, %lt3A : i32
    %convert_element_type3A = arith.extui %lt3A_1 : i1 to i32
    %cond3A = arith.constant 0 : i32
    %cond3A_2 = arith.cmpi ne, %convert_element_type3A, %cond3A : i32
    scf.if %cond3A_2 {
      %mul3A_14 = arith.constant 8 : i32
      %mul3A_15 = arith.muli %arg1, %mul3A_14 : i32
      %mul3A_16 = arith.constant 8 : i32
      %mul3A_17 = arith.muli %arg1, %mul3A_16 : i32
      "tpu.region"() ({
        %run_scoped3A_18 = tpu.sem_alloc : memref<!tpu.dma_semaphore, #tpu.memory_space<semaphore_mem>>
        %dma_start3A = arith.constant 0 : i32
        %dma_start3A_19 = tpu.memref_slice %arg15[%mul3A_17, %dma_start3A] : memref<80x128xf32, #tpu.memory_space<vmem_shared>> -> memref<8x128xf32, #tpu.memory_space<vmem_shared>>
        %dma_start3A_20 = arith.constant 0 : i32
        %dma_start3A_21 = tpu.memref_slice %arg5[%mul3A_15, %dma_start3A_20] : memref<10240x128xf32, #tpu.memory_space<hbm>> -> memref<8x128xf32, #tpu.memory_space<hbm>>
        tpu.enqueue_dma source(%dma_start3A_21 : memref<8x128xf32, #tpu.memory_space<hbm>>) target(%dma_start3A_19 : memref<8x128xf32, #tpu.memory_space<vmem_shared>>) target_semaphore(%run_scoped3A_18 : memref<!tpu.dma_semaphore, #tpu.memory_space<semaphore_mem>>)
        %dma_wait3A = arith.constant 0 : i32
        %dma_wait3A_22 = tpu.memref_slice %arg15[%mul3A_17, %dma_wait3A] : memref<80x128xf32, #tpu.memory_space<vmem_shared>> -> memref<8x128xf32, #tpu.memory_space<vmem_shared>>
        %dma_wait3A_23 = arith.constant 0 : i32
        %dma_wait3A_24 = tpu.memref_slice %arg5[%mul3A_15, %dma_wait3A_23] : memref<10240x128xf32, #tpu.memory_space<hbm>> -> memref<8x128xf32, #tpu.memory_space<hbm>>
        tpu.wait_dma2 semaphore(%run_scoped3A_18 : memref<!tpu.dma_semaphore, #tpu.memory_space<semaphore_mem>>) src(%dma_wait3A_24 : memref<8x128xf32, #tpu.memory_space<hbm>>) dst(%dma_wait3A_22 : memref<8x128xf32, #tpu.memory_space<vmem_shared>>)
        tpu.yield
      }) : () -> ()
    } else {
    }
    "tpu.region"() ({
      %run_scoped3A_14 = tpu.sem_alloc : memref<!tpu.dma_semaphore, #tpu.memory_space<semaphore_mem>>
      tpu.enqueue_dma source(%arg6 : memref<1x80xi32, #tpu.memory_space<hbm>>) target(%arg12 : memref<1x80xi32, #tpu.memory_space<vmem>>) target_semaphore(%run_scoped3A_14 : memref<!tpu.dma_semaphore, #tpu.memory_space<semaphore_mem>>)
      tpu.wait_dma2 semaphore(%run_scoped3A_14 : memref<!tpu.dma_semaphore, #tpu.memory_space<semaphore_mem>>) src(%arg6 : memref<1x80xi32, #tpu.memory_space<hbm>>) dst(%arg12 : memref<1x80xi32, #tpu.memory_space<vmem>>)
      tpu.yield
    }) : () -> ()
    %barrier3A = arith.constant 0 : index
    tpu.barrier barrier_id(%barrier3A)
    %scan3A = arith.constant 0 : i32
    %scan3A_3 = arith.constant 0 : i32
    %scan3A_4 = arith.constant 640 : i32
    %scan3A_5 = arith.addi %scan3A_3, %scan3A_4 : i32
    %scan3A_6 = arith.constant 1 : i32
    scf.for %scan3A_14 = %scan3A_3 to %scan3A_5 step %scan3A_6  : i32 {
      %jit3A = arith.constant 8 : i32
      %div3A = arith.divsi %scan3A_14, %jit3A : i32
      %sign3A = arith.constant 0 : i32
      %sign3A_15 = arith.cmpi sgt, %scan3A_14, %sign3A : i32
      %sign3A_16 = arith.extui %sign3A_15 : i1 to i32
      %sign3A_17 = arith.constant 0 : i32
      %sign3A_18 = arith.cmpi slt, %scan3A_14, %sign3A_17 : i32
      %sign3A_19 = arith.extui %sign3A_18 : i1 to i32
      %sign3A_20 = arith.subi %sign3A_16, %sign3A_19 : i32
      %sign3A_21 = arith.constant 0 : i32
      %sign3A_22 = arith.cmpi sgt, %jit3A, %sign3A_21 : i32
      %sign3A_23 = arith.extui %sign3A_22 : i1 to i32
      %sign3A_24 = arith.constant 0 : i32
      %sign3A_25 = arith.cmpi slt, %jit3A, %sign3A_24 : i32
      %sign3A_26 = arith.extui %sign3A_25 : i1 to i32
      %sign3A_27 = arith.subi %sign3A_23, %sign3A_26 : i32
      %ne3A = arith.cmpi ne, %sign3A_20, %sign3A_27 : i32
      %rem3A = arith.remsi %scan3A_14, %jit3A : i32
      %ne3A_28 = arith.constant 0 : i32
      %ne3A_29 = arith.cmpi ne, %rem3A, %ne3A_28 : i32
      %and3A = arith.andi %ne3A, %ne3A_29 : i1
      %sub3A = arith.constant 1 : i32
      %sub3A_30 = arith.subi %div3A, %sub3A : i32
      %select_n3A = arith.select %and3A, %sub3A_30, %div3A : i32
      %jit3A_31 = arith.constant 8 : i32
      %eq3A = arith.constant 0 : i32
      %eq3A_32 = arith.cmpi eq, %jit3A_31, %eq3A : i32
      %jit3A_33 = arith.constant 1 : i32
      %select_n3A_34 = arith.select %eq3A_32, %jit3A_33, %jit3A_31 : i32
      %rem3A_35 = arith.remsi %scan3A_14, %select_n3A_34 : i32
      %ne3A_36 = arith.constant 0 : i32
      %ne3A_37 = arith.cmpi ne, %rem3A_35, %ne3A_36 : i32
      %lt3A_38 = arith.constant 0 : i32
      %lt3A_39 = arith.cmpi slt, %rem3A_35, %lt3A_38 : i32
      %lt3A_40 = arith.constant 0 : i32
      %lt3A_41 = arith.cmpi slt, %select_n3A_34, %lt3A_40 : i32
      %ne3A_42 = arith.xori %lt3A_39, %lt3A_41 : i1
      %and3A_43 = arith.andi %ne3A_42, %ne3A_37 : i1
      %add3A_44 = arith.addi %rem3A_35, %select_n3A_34 : i32
      %select_n3A_45 = arith.select %and3A_43, %add3A_44, %rem3A_35 : i32
      %mul3A_46 = arith.constant 16 : i32
      %mul3A_47 = arith.muli %select_n3A_45, %mul3A_46 : i32
      %get3A = arith.index_cast %select_n3A : i32 to index
      %get3A_48 = arith.index_cast %mul3A_47 : i32 to index
      %get3A_49 = tpu.vector_load %arg8[%get3A, %get3A_48] {strides = array<i32>} : memref<80x128xi32, #tpu.memory_space<vmem>>, vector<16xi32>,
      %mul3A_50 = arith.constant 16 : i32
      %mul3A_51 = arith.muli %select_n3A_45, %mul3A_50 : i32
      %get3A_52 = arith.index_cast %select_n3A : i32 to index
      %get3A_53 = arith.index_cast %mul3A_51 : i32 to index
      %get3A_54 = tpu.vector_load %arg9[%get3A_52, %get3A_53] {strides = array<i32>} : memref<80x128xi32, #tpu.memory_space<vmem>>, vector<16xi32>,
      %shift_right_logical3A = arith.constant 7 : i32
      %shift_right_logical3A_55 = vector.broadcast %shift_right_logical3A : i32 to vector<16xi32>
      %shift_right_logical3A_56 = arith.shrui %get3A_54, %shift_right_logical3A_55 : vector<16xi32>
      %and3A_57 = arith.constant 127 : i32
      %and3A_58 = vector.broadcast %and3A_57 : i32 to vector<16xi32>
      %and3A_59 = arith.andi %get3A_54, %and3A_58 : vector<16xi32>
      %gather3A = tpu.vector_load_idx %arg10[%shift_right_logical3A_56, %and3A_59] : memref<80x128xf32, #tpu.memory_space<vmem>>[vector<16xi32>, vector<16xi32>], vector<16xf32>,
      %iota3A = tpu.iota {dimensions = array<i32: 0>} : vector<16xi32>
      %masked_sort3A = arith.constant dense<true> : vector<16xi1>
      %masked_sort3A_60 = arith.constant -2147483648 : i32
      %masked_sort3A_61 = vector.broadcast %masked_sort3A_60 : i32 to vector<16xi32>
      %masked_sort3A_62 = arith.xori %get3A_49, %masked_sort3A_61 : vector<16xi32>
      %masked_sort3A_63, %masked_sort3A_64, %masked_sort3A_65 = tpu.sort %masked_sort3A_62, %gather3A masked %masked_sort3A : (vector<16xi32>, vector<16xf32>, vector<16xi1>) -> (vector<16xi1>, vector<16xi32>, vector<16xf32>)
      %masked_sort3A_66 = arith.xori %masked_sort3A_64, %masked_sort3A_61 : vector<16xi32>
      %swap3A = arith.constant 0 : index
      %swap3A_67 = tpu.vector_load %arg13[%swap3A] {strides = array<i32>} : memref<16xi32, #tpu.memory_space<vmem>>, vector<16xi32>,
      tpu.vector_store %arg13[%swap3A], %masked_sort3A_66 {strides = array<i32>} : memref<16xi32, #tpu.memory_space<vmem>>, vector<16xi32>,
      %add3A_68 = arith.constant 1 : i32
      %add3A_69 = vector.broadcast %add3A_68 : i32 to vector<16xi32>
      %add3A_70 = arith.addi %iota3A, %add3A_69 : vector<16xi32>
      %min3A = arith.constant 15 : i32
      %min3A_71 = vector.broadcast %min3A : i32 to vector<16xi32>
      %min3A_72 = arith.minsi %add3A_70, %min3A_71 : vector<16xi32>
      %gather3A_73 = tpu.vector_load_idx %arg13[%min3A_72] : memref<16xi32, #tpu.memory_space<vmem>>[vector<16xi32>], vector<16xi32>,
      %ne3A_74 = arith.cmpi ne, %masked_sort3A_66, %gather3A_73 : vector<16xi32>
      %eq3A_75 = arith.constant 15 : i32
      %eq3A_76 = vector.broadcast %eq3A_75 : i32 to vector<16xi32>
      %eq3A_77 = arith.cmpi eq, %iota3A, %eq3A_76 : vector<16xi32>
      %or3A = arith.ori %ne3A_74, %eq3A_77 : vector<16xi1>
      %broadcast_in_dim3A = arith.constant true
      %broadcast_in_dim3A_78 = vector.broadcast %broadcast_in_dim3A : i1 to vector<16xi1>
      %masked_cumsum3A = tpu.scan <sum>, %masked_sort3A_65 masked %broadcast_in_dim3A_78 : vector<16xf32>, vector<16xi1> -> vector<16xf32>
      %jit3A_79 = arith.constant 0.000000e+00 : f32
      %broadcast_in_dim3A_80 = vector.broadcast %jit3A_79 : f32 to vector<16xf32>
      %select_n3A_81 = arith.select %or3A, %masked_cumsum3A, %broadcast_in_dim3A_80 : vector<16xi1>, vector<16xf32>
      %broadcast_in_dim3A_82 = arith.constant true
      %broadcast_in_dim3A_83 = vector.broadcast %broadcast_in_dim3A_82 : i1 to vector<16xi1>
      %masked_cummax3A = tpu.scan <max>, %select_n3A_81 masked %broadcast_in_dim3A_83 : vector<16xf32>, vector<16xi1> -> vector<16xf32>
      %swap3A_84 = arith.constant 0 : index
      %swap3A_85 = tpu.vector_load %arg14[%swap3A_84] {strides = array<i32>} : memref<16xf32, #tpu.memory_space<vmem>>, vector<16xf32>,
      tpu.vector_store %arg14[%swap3A_84], %masked_cummax3A {strides = array<i32>} : memref<16xf32, #tpu.memory_space<vmem>>, vector<16xf32>,
      %sub3A_86 = arith.constant 1 : i32
      %sub3A_87 = vector.broadcast %sub3A_86 : i32 to vector<16xi32>
      %sub3A_88 = arith.subi %iota3A, %sub3A_87 : vector<16xi32>
      %max3A = arith.constant 0 : i32
      %max3A_89 = vector.broadcast %max3A : i32 to vector<16xi32>
      %max3A_90 = arith.maxsi %sub3A_88, %max3A_89 : vector<16xi32>
      %gather3A_91 = tpu.vector_load_idx %arg14[%max3A_90] : memref<16xf32, #tpu.memory_space<vmem>>[vector<16xi32>], vector<16xf32>,
      %eq3A_92 = arith.constant 0 : i32
      %eq3A_93 = vector.broadcast %eq3A_92 : i32 to vector<16xi32>
      %eq3A_94 = arith.cmpi eq, %iota3A, %eq3A_93 : vector<16xi32>
      %jit3A_95 = arith.constant 0.000000e+00 : f32
      %broadcast_in_dim3A_96 = vector.broadcast %jit3A_95 : f32 to vector<16xf32>
      %select_n3A_97 = arith.select %eq3A_94, %broadcast_in_dim3A_96, %gather3A_91 : vector<16xi1>, vector<16xf32>
      %sub3A_98 = arith.subf %masked_cumsum3A, %select_n3A_97 : vector<16xf32>
      %shift_right_logical3A_99 = arith.constant 7 : i32
      %shift_right_logical3A_100 = vector.broadcast %shift_right_logical3A_99 : i32 to vector<16xi32>
      %shift_right_logical3A_101 = arith.shrui %masked_sort3A_66, %shift_right_logical3A_100 : vector<16xi32>
      %and3A_102 = arith.constant 127 : i32
      %and3A_103 = vector.broadcast %and3A_102 : i32 to vector<16xi32>
      %and3A_104 = arith.andi %masked_sort3A_66, %and3A_103 : vector<16xi32>
      tpu.vector_store_idx %arg11[%shift_right_logical3A_101, %and3A_104], %sub3A_98 masked %or3A {add = true} : memref<80x128xf32, #tpu.memory_space<vmem>>[vector<16xi32>, vector<16xi32>], vector<16xf32>, vector<16xi1>
    }
    %scan3A_7 = arith.constant 640 : i32
    %run_scoped3A = arith.constant 0 : i32
    "tpu.region"() ({
      %run_scoped3A_14 = tpu.sem_alloc : memref<!tpu.dma_semaphore, #tpu.memory_space<semaphore_mem>>
      %dma_start3A = arith.constant 0 : i32
      %dma_start3A_15 = tpu.memref_slice %arg12[%run_scoped3A, %dma_start3A] : memref<1x80xi32, #tpu.memory_space<vmem>> -> memref<1x80xi32, #tpu.memory_space<vmem>>
      %dma_start3A_16 = tpu.memref_squeeze %dma_start3A_15 : memref<1x80xi32, #tpu.memory_space<vmem>> -> memref<80xi32, #tpu.memory_space<vmem>>
      %dma_start3A_17 = arith.constant 0 : i32
      %dma_start3A_18 = arith.constant 0 : i32
      %dma_start3A_19 = tpu.memref_slice %arg15[%dma_start3A_17, %dma_start3A_18] : memref<80x128xf32, #tpu.memory_space<vmem_shared>> -> memref<80x128xf32, #tpu.memory_space<vmem_shared>>
      tpu.enqueue_indirect_dma source(%arg11 : memref<80x128xf32, #tpu.memory_space<vmem>>) target(%dma_start3A_19 : memref<80x128xf32, #tpu.memory_space<vmem_shared>>) offsets(%dma_start3A_16 : memref<80xi32, #tpu.memory_space<vmem>>) semaphore(%run_scoped3A_14 : memref<!tpu.dma_semaphore, #tpu.memory_space<semaphore_mem>>) {add = true}
      %dma_wait3A = arith.constant 0 : i32
      %dma_wait3A_20 = tpu.memref_slice %arg12[%run_scoped3A, %dma_wait3A] : memref<1x80xi32, #tpu.memory_space<vmem>> -> memref<1x80xi32, #tpu.memory_space<vmem>>
      %dma_wait3A_21 = tpu.memref_squeeze %dma_wait3A_20 : memref<1x80xi32, #tpu.memory_space<vmem>> -> memref<80xi32, #tpu.memory_space<vmem>>
      %dma_wait3A_22 = arith.constant 0 : i32
      %dma_wait3A_23 = arith.constant 0 : i32
      %dma_wait3A_24 = tpu.memref_slice %arg15[%dma_wait3A_22, %dma_wait3A_23] : memref<80x128xf32, #tpu.memory_space<vmem_shared>> -> memref<80x128xf32, #tpu.memory_space<vmem_shared>>
      tpu.wait_indirect_dma semaphore(%run_scoped3A_14 : memref<!tpu.dma_semaphore, #tpu.memory_space<semaphore_mem>>) src(%arg11 : memref<80x128xf32, #tpu.memory_space<vmem>>) dst(%dma_wait3A_24 : memref<80x128xf32, #tpu.memory_space<vmem_shared>>)
      tpu.yield
    }) : () -> ()
    %barrier3A_8 = arith.constant 0 : index
    tpu.barrier barrier_id(%barrier3A_8)
    %lt3A_9 = arith.constant 10 : i32
    %lt3A_10 = arith.cmpi slt, %arg1, %lt3A_9 : i32
    %convert_element_type3A_11 = arith.extui %lt3A_10 : i1 to i32
    %cond3A_12 = arith.constant 0 : i32
    %cond3A_13 = arith.cmpi ne, %convert_element_type3A_11, %cond3A_12 : i32
    scf.if %cond3A_13 {
      %mul3A_14 = arith.constant 8 : i32
      %mul3A_15 = arith.muli %arg1, %mul3A_14 : i32
      %mul3A_16 = arith.constant 8 : i32
      %mul3A_17 = arith.muli %arg1, %mul3A_16 : i32
      "tpu.region"() ({
        %run_scoped3A_18 = tpu.sem_alloc : memref<!tpu.dma_semaphore, #tpu.memory_space<semaphore_mem>>
        %dma_start3A = arith.constant 0 : i32
        %dma_start3A_19 = tpu.memref_slice %arg7[%arg0, %mul3A_17, %dma_start3A] : memref<2x80x128xf32, #tpu.memory_space<hbm>> -> memref<1x8x128xf32, #tpu.memory_space<hbm>>
        %dma_start3A_20 = tpu.memref_squeeze %dma_start3A_19 : memref<1x8x128xf32, #tpu.memory_space<hbm>> -> memref<8x128xf32, #tpu.memory_space<hbm>>
        %dma_start3A_21 = arith.constant 0 : i32
        %dma_start3A_22 = tpu.memref_slice %arg15[%mul3A_15, %dma_start3A_21] : memref<80x128xf32, #tpu.memory_space<vmem_shared>> -> memref<8x128xf32, #tpu.memory_space<vmem_shared>>
        tpu.enqueue_dma source(%dma_start3A_22 : memref<8x128xf32, #tpu.memory_space<vmem_shared>>) target(%dma_start3A_20 : memref<8x128xf32, #tpu.memory_space<hbm>>) target_semaphore(%run_scoped3A_18 : memref<!tpu.dma_semaphore, #tpu.memory_space<semaphore_mem>>)
        %dma_wait3A = arith.constant 0 : i32
        %dma_wait3A_23 = tpu.memref_slice %arg7[%arg0, %mul3A_17, %dma_wait3A] : memref<2x80x128xf32, #tpu.memory_space<hbm>> -> memref<1x8x128xf32, #tpu.memory_space<hbm>>
        %dma_wait3A_24 = tpu.memref_squeeze %dma_wait3A_23 : memref<1x8x128xf32, #tpu.memory_space<hbm>> -> memref<8x128xf32, #tpu.memory_space<hbm>>
        %dma_wait3A_25 = arith.constant 0 : i32
        %dma_wait3A_26 = tpu.memref_slice %arg15[%mul3A_15, %dma_wait3A_25] : memref<80x128xf32, #tpu.memory_space<vmem_shared>> -> memref<8x128xf32, #tpu.memory_space<vmem_shared>>
        tpu.wait_dma2 semaphore(%run_scoped3A_18 : memref<!tpu.dma_semaphore, #tpu.memory_space<semaphore_mem>>) src(%dma_wait3A_26 : memref<8x128xf32, #tpu.memory_space<vmem_shared>>) dst(%dma_wait3A_24 : memref<8x128xf32, #tpu.memory_space<hbm>>)
        tpu.yield
      }) : () -> ()
    } else {
    }
    return
  }
}

#map = affine_map<(d0, d1) -> (0, 0)>
#map1 = affine_map<(d0, d1) -> (0, 0, 0)>
module attributes {stable_mosaic.version = 14 : i64} {
  func.func @_sc_scatter(%arg0: i32, %arg1: i32, %arg2: memref<10000x128xf32, #tpu.memory_space<hbm>>, %arg3: memref<32x80x128xi32, #tpu.memory_space<hbm>>, %arg4: memref<32x80x128xi32, #tpu.memory_space<hbm>>, %arg5: memref<10240x128xf32, #tpu.memory_space<hbm>>, %arg6: memref<2x10240x128xf32, #tpu.memory_space<hbm>>, %arg7: memref<40x128xi32, #tpu.memory_space<vmem>>, %arg8: memref<40x128xi32, #tpu.memory_space<vmem>>, %arg9: memref<128x128xf32, #tpu.memory_space<vmem>>, %arg10: memref<128x128xf32, #tpu.memory_space<vmem>>, %arg11: memref<10240x128xf32, #tpu.memory_space<vmem_shared>>, %arg12: memref<!tpu.dma_semaphore, #tpu.memory_space<semaphore_mem>>, %arg13: memref<!tpu.dma_semaphore, #tpu.memory_space<semaphore_mem>>, %arg14: memref<!tpu.dma_semaphore, #tpu.memory_space<semaphore_mem>>, %arg15: memref<!tpu.dma_semaphore, #tpu.memory_space<semaphore_mem>>) attributes {dimension_semantics = [#tpu.dimension_semantics<core_parallel>, #tpu.dimension_semantics<subcore_parallel>], iteration_bounds = array<i64: 2, 16>, scalar_prefetch = 0 : i64, scratch_operands = 9 : i64, tpu.core_type = #tpu.core_type<sc_vector_subcore>, window_params = [{transform_indices = #map}, {transform_indices = #map1}, {transform_indices = #map1}, {transform_indices = #map}, {transform_indices = #map1}]} {
    %mul3A = arith.constant 16 : i32
    %mul3A_0 = arith.muli %arg0, %mul3A : i32
    %add3A = arith.addi %mul3A_0, %arg1 : i32
    %mul3A_1 = arith.constant 640 : i32
    %mul3A_2 = arith.muli %arg1, %mul3A_1 : i32
    %mul3A_3 = arith.constant 640 : i32
    %mul3A_4 = arith.muli %arg1, %mul3A_3 : i32
    "tpu.region"() ({
      %run_scoped3A = tpu.sem_alloc : memref<!tpu.dma_semaphore, #tpu.memory_space<semaphore_mem>>
      %dma_start3A_75 = arith.constant 0 : i32
      %dma_start3A_76 = tpu.memref_slice %arg11[%mul3A_4, %dma_start3A_75] : memref<10240x128xf32, #tpu.memory_space<vmem_shared>> -> memref<640x128xf32, #tpu.memory_space<vmem_shared>>
      %dma_start3A_77 = arith.constant 0 : i32
      %dma_start3A_78 = tpu.memref_slice %arg5[%mul3A_2, %dma_start3A_77] : memref<10240x128xf32, #tpu.memory_space<hbm>> -> memref<640x128xf32, #tpu.memory_space<hbm>>
      tpu.enqueue_dma source(%dma_start3A_78 : memref<640x128xf32, #tpu.memory_space<hbm>>) target(%dma_start3A_76 : memref<640x128xf32, #tpu.memory_space<vmem_shared>>) target_semaphore(%run_scoped3A : memref<!tpu.dma_semaphore, #tpu.memory_space<semaphore_mem>>)
      %dma_wait3A_79 = arith.constant 0 : i32
      %dma_wait3A_80 = tpu.memref_slice %arg11[%mul3A_4, %dma_wait3A_79] : memref<10240x128xf32, #tpu.memory_space<vmem_shared>> -> memref<640x128xf32, #tpu.memory_space<vmem_shared>>
      %dma_wait3A_81 = arith.constant 0 : i32
      %dma_wait3A_82 = tpu.memref_slice %arg5[%mul3A_2, %dma_wait3A_81] : memref<10240x128xf32, #tpu.memory_space<hbm>> -> memref<640x128xf32, #tpu.memory_space<hbm>>
      tpu.wait_dma2 semaphore(%run_scoped3A : memref<!tpu.dma_semaphore, #tpu.memory_space<semaphore_mem>>) src(%dma_wait3A_82 : memref<640x128xf32, #tpu.memory_space<hbm>>) dst(%dma_wait3A_80 : memref<640x128xf32, #tpu.memory_space<vmem_shared>>)
      tpu.yield
    }) : () -> ()
    %barrier3A = arith.constant 0 : index
    tpu.barrier barrier_id(%barrier3A)
    "tpu.region"() ({
      %run_scoped3A = tpu.sem_alloc : memref<!tpu.dma_semaphore, #tpu.memory_space<semaphore_mem>>
      %dma_start3A_75 = arith.constant 0 : i32
      %dma_start3A_76 = arith.constant 0 : i32
      %dma_start3A_77 = tpu.memref_slice %arg3[%add3A, %dma_start3A_75, %dma_start3A_76] : memref<32x80x128xi32, #tpu.memory_space<hbm>> -> memref<1x40x128xi32, #tpu.memory_space<hbm>>
      %dma_start3A_78 = tpu.memref_squeeze %dma_start3A_77 : memref<1x40x128xi32, #tpu.memory_space<hbm>> -> memref<40x128xi32, #tpu.memory_space<hbm>>
      %dma_start3A_79 = arith.constant 0 : i32
      %dma_start3A_80 = arith.constant 0 : i32
      %dma_start3A_81 = tpu.memref_slice %arg3[%add3A, %dma_start3A_79, %dma_start3A_80] : memref<32x80x128xi32, #tpu.memory_space<hbm>> -> memref<1x40x128xi32, #tpu.memory_space<hbm>>
      %dma_start3A_82 = tpu.memref_squeeze %dma_start3A_81 : memref<1x40x128xi32, #tpu.memory_space<hbm>> -> memref<40x128xi32, #tpu.memory_space<hbm>>
      tpu.enqueue_dma source(%dma_start3A_82 : memref<40x128xi32, #tpu.memory_space<hbm>>) target(%arg7 : memref<40x128xi32, #tpu.memory_space<vmem>>) target_semaphore(%run_scoped3A : memref<!tpu.dma_semaphore, #tpu.memory_space<semaphore_mem>>)
      %dma_wait3A_83 = arith.constant 0 : i32
      %dma_wait3A_84 = arith.constant 0 : i32
      %dma_wait3A_85 = tpu.memref_slice %arg3[%add3A, %dma_wait3A_83, %dma_wait3A_84] : memref<32x80x128xi32, #tpu.memory_space<hbm>> -> memref<1x40x128xi32, #tpu.memory_space<hbm>>
      %dma_wait3A_86 = tpu.memref_squeeze %dma_wait3A_85 : memref<1x40x128xi32, #tpu.memory_space<hbm>> -> memref<40x128xi32, #tpu.memory_space<hbm>>
      %dma_wait3A_87 = arith.constant 0 : i32
      %dma_wait3A_88 = arith.constant 0 : i32
      %dma_wait3A_89 = tpu.memref_slice %arg3[%add3A, %dma_wait3A_87, %dma_wait3A_88] : memref<32x80x128xi32, #tpu.memory_space<hbm>> -> memref<1x40x128xi32, #tpu.memory_space<hbm>>
      %dma_wait3A_90 = tpu.memref_squeeze %dma_wait3A_89 : memref<1x40x128xi32, #tpu.memory_space<hbm>> -> memref<40x128xi32, #tpu.memory_space<hbm>>
      tpu.wait_dma2 semaphore(%run_scoped3A : memref<!tpu.dma_semaphore, #tpu.memory_space<semaphore_mem>>) src(%dma_wait3A_90 : memref<40x128xi32, #tpu.memory_space<hbm>>) dst(%arg7 : memref<40x128xi32, #tpu.memory_space<vmem>>)
      tpu.yield
    }) : () -> ()
    "tpu.region"() ({
      %run_scoped3A = tpu.sem_alloc : memref<!tpu.dma_semaphore, #tpu.memory_space<semaphore_mem>>
      %dma_start3A_75 = arith.constant 0 : i32
      %dma_start3A_76 = arith.constant 0 : i32
      %dma_start3A_77 = tpu.memref_slice %arg4[%add3A, %dma_start3A_75, %dma_start3A_76] : memref<32x80x128xi32, #tpu.memory_space<hbm>> -> memref<1x40x128xi32, #tpu.memory_space<hbm>>
      %dma_start3A_78 = tpu.memref_squeeze %dma_start3A_77 : memref<1x40x128xi32, #tpu.memory_space<hbm>> -> memref<40x128xi32, #tpu.memory_space<hbm>>
      %dma_start3A_79 = arith.constant 0 : i32
      %dma_start3A_80 = arith.constant 0 : i32
      %dma_start3A_81 = tpu.memref_slice %arg4[%add3A, %dma_start3A_79, %dma_start3A_80] : memref<32x80x128xi32, #tpu.memory_space<hbm>> -> memref<1x40x128xi32, #tpu.memory_space<hbm>>
      %dma_start3A_82 = tpu.memref_squeeze %dma_start3A_81 : memref<1x40x128xi32, #tpu.memory_space<hbm>> -> memref<40x128xi32, #tpu.memory_space<hbm>>
      tpu.enqueue_dma source(%dma_start3A_82 : memref<40x128xi32, #tpu.memory_space<hbm>>) target(%arg8 : memref<40x128xi32, #tpu.memory_space<vmem>>) target_semaphore(%run_scoped3A : memref<!tpu.dma_semaphore, #tpu.memory_space<semaphore_mem>>)
      %dma_wait3A_83 = arith.constant 0 : i32
      %dma_wait3A_84 = arith.constant 0 : i32
      %dma_wait3A_85 = tpu.memref_slice %arg4[%add3A, %dma_wait3A_83, %dma_wait3A_84] : memref<32x80x128xi32, #tpu.memory_space<hbm>> -> memref<1x40x128xi32, #tpu.memory_space<hbm>>
      %dma_wait3A_86 = tpu.memref_squeeze %dma_wait3A_85 : memref<1x40x128xi32, #tpu.memory_space<hbm>> -> memref<40x128xi32, #tpu.memory_space<hbm>>
      %dma_wait3A_87 = arith.constant 0 : i32
      %dma_wait3A_88 = arith.constant 0 : i32
      %dma_wait3A_89 = tpu.memref_slice %arg4[%add3A, %dma_wait3A_87, %dma_wait3A_88] : memref<32x80x128xi32, #tpu.memory_space<hbm>> -> memref<1x40x128xi32, #tpu.memory_space<hbm>>
      %dma_wait3A_90 = tpu.memref_squeeze %dma_wait3A_89 : memref<1x40x128xi32, #tpu.memory_space<hbm>> -> memref<40x128xi32, #tpu.memory_space<hbm>>
      tpu.wait_dma2 semaphore(%run_scoped3A : memref<!tpu.dma_semaphore, #tpu.memory_space<semaphore_mem>>) src(%dma_wait3A_90 : memref<40x128xi32, #tpu.memory_space<hbm>>) dst(%arg8 : memref<40x128xi32, #tpu.memory_space<vmem>>)
      tpu.yield
    }) : () -> ()
    %scan3A = arith.constant 0 : i32
    %scan3A_5 = arith.constant 0 : i32
    %scan3A_6 = arith.constant 20 : i32
    %scan3A_7 = arith.addi %scan3A_5, %scan3A_6 : i32
    %scan3A_8 = arith.constant 1 : i32
    scf.for %scan3A_75 = %scan3A_5 to %scan3A_7 step %scan3A_8  : i32 {
      %mul3A_76 = arith.constant 2 : i32
      %mul3A_77 = arith.muli %mul3A_76, %scan3A_75 : i32
      %gt3A = arith.constant 0 : i32
      %gt3A_78 = arith.cmpi sgt, %scan3A_75, %gt3A : i32
      %convert_element_type3A = arith.extui %gt3A_78 : i1 to i32
      %cond3A = arith.constant 0 : i32
      %cond3A_79 = arith.cmpi ne, %convert_element_type3A, %cond3A : i32
      scf.if %cond3A_79 {
        %dma_wait3A_112 = arith.constant 0 : i32
        %dma_wait3A_113 = arith.constant 0 : i32
        %dma_wait3A_114 = tpu.memref_slice %arg8[%dma_wait3A_112, %dma_wait3A_113] : memref<40x128xi32, #tpu.memory_space<vmem>> -> memref<1x128xi32, #tpu.memory_space<vmem>>
        %dma_wait3A_115 = tpu.memref_squeeze %dma_wait3A_114 : memref<1x128xi32, #tpu.memory_space<vmem>> -> memref<128xi32, #tpu.memory_space<vmem>>
        %dma_wait3A_116 = arith.constant 0 : i32
        %dma_wait3A_117 = arith.constant 0 : i32
        %dma_wait3A_118 = tpu.memref_slice %arg11[%dma_wait3A_116, %dma_wait3A_117] : memref<10240x128xf32, #tpu.memory_space<vmem_shared>> -> memref<10240x128xf32, #tpu.memory_space<vmem_shared>>
        tpu.wait_indirect_dma semaphore(%arg14 : memref<!tpu.dma_semaphore, #tpu.memory_space<semaphore_mem>>) src(%arg9 : memref<128x128xf32, #tpu.memory_space<vmem>>) dst(%dma_wait3A_118 : memref<10240x128xf32, #tpu.memory_space<vmem_shared>>)
      } else {
      }
      %dma_start3A_80 = arith.constant 0 : i32
      %dma_start3A_81 = tpu.memref_slice %arg7[%mul3A_77, %dma_start3A_80] : memref<40x128xi32, #tpu.memory_space<vmem>> -> memref<1x128xi32, #tpu.memory_space<vmem>>
      %dma_start3A_82 = tpu.memref_squeeze %dma_start3A_81 : memref<1x128xi32, #tpu.memory_space<vmem>> -> memref<128xi32, #tpu.memory_space<vmem>>
      %dma_start3A_83 = arith.constant 0 : i32
      %dma_start3A_84 = arith.constant 0 : i32
      %dma_start3A_85 = tpu.memref_slice %arg2[%dma_start3A_83, %dma_start3A_84] : memref<10000x128xf32, #tpu.memory_space<hbm>> -> memref<10000x128xf32, #tpu.memory_space<hbm>>
      tpu.enqueue_indirect_dma source(%dma_start3A_85 : memref<10000x128xf32, #tpu.memory_space<hbm>>) target(%arg9 : memref<128x128xf32, #tpu.memory_space<vmem>>) offsets(%dma_start3A_82 : memref<128xi32, #tpu.memory_space<vmem>>) semaphore(%arg12 : memref<!tpu.dma_semaphore, #tpu.memory_space<semaphore_mem>>)
      %gt3A_86 = arith.constant 0 : i32
      %gt3A_87 = arith.cmpi sgt, %scan3A_75, %gt3A_86 : i32
      %convert_element_type3A_88 = arith.extui %gt3A_87 : i1 to i32
      %cond3A_89 = arith.constant 0 : i32
      %cond3A_90 = arith.cmpi ne, %convert_element_type3A_88, %cond3A_89 : i32
      scf.if %cond3A_90 {
        %dma_wait3A_112 = arith.constant 0 : i32
        %dma_wait3A_113 = arith.constant 0 : i32
        %dma_wait3A_114 = tpu.memref_slice %arg7[%dma_wait3A_112, %dma_wait3A_113] : memref<40x128xi32, #tpu.memory_space<vmem>> -> memref<1x128xi32, #tpu.memory_space<vmem>>
        %dma_wait3A_115 = tpu.memref_squeeze %dma_wait3A_114 : memref<1x128xi32, #tpu.memory_space<vmem>> -> memref<128xi32, #tpu.memory_space<vmem>>
        %dma_wait3A_116 = arith.constant 0 : i32
        %dma_wait3A_117 = arith.constant 0 : i32
        %dma_wait3A_118 = tpu.memref_slice %arg2[%dma_wait3A_116, %dma_wait3A_117] : memref<10000x128xf32, #tpu.memory_space<hbm>> -> memref<10000x128xf32, #tpu.memory_space<hbm>>
        tpu.wait_indirect_dma semaphore(%arg13 : memref<!tpu.dma_semaphore, #tpu.memory_space<semaphore_mem>>) src(%dma_wait3A_118 : memref<10000x128xf32, #tpu.memory_space<hbm>>) dst(%arg10 : memref<128x128xf32, #tpu.memory_space<vmem>>)
        %sub3A = arith.constant 1 : i32
        %sub3A_119 = arith.subi %mul3A_77, %sub3A : i32
        %dma_start3A_120 = arith.constant 0 : i32
        %dma_start3A_121 = tpu.memref_slice %arg8[%sub3A_119, %dma_start3A_120] : memref<40x128xi32, #tpu.memory_space<vmem>> -> memref<1x128xi32, #tpu.memory_space<vmem>>
        %dma_start3A_122 = tpu.memref_squeeze %dma_start3A_121 : memref<1x128xi32, #tpu.memory_space<vmem>> -> memref<128xi32, #tpu.memory_space<vmem>>
        %dma_start3A_123 = arith.constant 0 : i32
        %dma_start3A_124 = arith.constant 0 : i32
        %dma_start3A_125 = tpu.memref_slice %arg11[%dma_start3A_123, %dma_start3A_124] : memref<10240x128xf32, #tpu.memory_space<vmem_shared>> -> memref<10240x128xf32, #tpu.memory_space<vmem_shared>>
        tpu.enqueue_indirect_dma source(%arg10 : memref<128x128xf32, #tpu.memory_space<vmem>>) target(%dma_start3A_125 : memref<10240x128xf32, #tpu.memory_space<vmem_shared>>) offsets(%dma_start3A_122 : memref<128xi32, #tpu.memory_space<vmem>>) semaphore(%arg15 : memref<!tpu.dma_semaphore, #tpu.memory_space<semaphore_mem>>) {add = true}
        %dma_wait3A_126 = arith.constant 0 : i32
        %dma_wait3A_127 = arith.constant 0 : i32
        %dma_wait3A_128 = tpu.memref_slice %arg8[%dma_wait3A_126, %dma_wait3A_127] : memref<40x128xi32, #tpu.memory_space<vmem>> -> memref<1x128xi32, #tpu.memory_space<vmem>>
        %dma_wait3A_129 = tpu.memref_squeeze %dma_wait3A_128 : memref<1x128xi32, #tpu.memory_space<vmem>> -> memref<128xi32, #tpu.memory_space<vmem>>
        %dma_wait3A_130 = arith.constant 0 : i32
        %dma_wait3A_131 = arith.constant 0 : i32
        %dma_wait3A_132 = tpu.memref_slice %arg11[%dma_wait3A_130, %dma_wait3A_131] : memref<10240x128xf32, #tpu.memory_space<vmem_shared>> -> memref<10240x128xf32, #tpu.memory_space<vmem_shared>>
        tpu.wait_indirect_dma semaphore(%arg15 : memref<!tpu.dma_semaphore, #tpu.memory_space<semaphore_mem>>) src(%arg10 : memref<128x128xf32, #tpu.memory_space<vmem>>) dst(%dma_wait3A_132 : memref<10240x128xf32, #tpu.memory_space<vmem_shared>>)
      } else {
      }
      %add3A_91 = arith.constant 1 : i32
      %add3A_92 = arith.addi %mul3A_77, %add3A_91 : i32
      %dma_start3A_93 = arith.constant 0 : i32
      %dma_start3A_94 = tpu.memref_slice %arg7[%add3A_92, %dma_start3A_93] : memref<40x128xi32, #tpu.memory_space<vmem>> -> memref<1x128xi32, #tpu.memory_space<vmem>>
      %dma_start3A_95 = tpu.memref_squeeze %dma_start3A_94 : memref<1x128xi32, #tpu.memory_space<vmem>> -> memref<128xi32, #tpu.memory_space<vmem>>
      %dma_start3A_96 = arith.constant 0 : i32
      %dma_start3A_97 = arith.constant 0 : i32
      %dma_start3A_98 = tpu.memref_slice %arg2[%dma_start3A_96, %dma_start3A_97] : memref<10000x128xf32, #tpu.memory_space<hbm>> -> memref<10000x128xf32, #tpu.memory_space<hbm>>
      tpu.enqueue_indirect_dma source(%dma_start3A_98 : memref<10000x128xf32, #tpu.memory_space<hbm>>) target(%arg10 : memref<128x128xf32, #tpu.memory_space<vmem>>) offsets(%dma_start3A_95 : memref<128xi32, #tpu.memory_space<vmem>>) semaphore(%arg13 : memref<!tpu.dma_semaphore, #tpu.memory_space<semaphore_mem>>)
      %dma_wait3A_99 = arith.constant 0 : i32
      %dma_wait3A_100 = arith.constant 0 : i32
      %dma_wait3A_101 = tpu.memref_slice %arg7[%dma_wait3A_99, %dma_wait3A_100] : memref<40x128xi32, #tpu.memory_space<vmem>> -> memref<1x128xi32, #tpu.memory_space<vmem>>
      %dma_wait3A_102 = tpu.memref_squeeze %dma_wait3A_101 : memref<1x128xi32, #tpu.memory_space<vmem>> -> memref<128xi32, #tpu.memory_space<vmem>>
      %dma_wait3A_103 = arith.constant 0 : i32
      %dma_wait3A_104 = arith.constant 0 : i32
      %dma_wait3A_105 = tpu.memref_slice %arg2[%dma_wait3A_103, %dma_wait3A_104] : memref<10000x128xf32, #tpu.memory_space<hbm>> -> memref<10000x128xf32, #tpu.memory_space<hbm>>
      tpu.wait_indirect_dma semaphore(%arg12 : memref<!tpu.dma_semaphore, #tpu.memory_space<semaphore_mem>>) src(%dma_wait3A_105 : memref<10000x128xf32, #tpu.memory_space<hbm>>) dst(%arg9 : memref<128x128xf32, #tpu.memory_space<vmem>>)
      %dma_start3A_106 = arith.constant 0 : i32
      %dma_start3A_107 = tpu.memref_slice %arg8[%mul3A_77, %dma_start3A_106] : memref<40x128xi32, #tpu.memory_space<vmem>> -> memref<1x128xi32, #tpu.memory_space<vmem>>
      %dma_start3A_108 = tpu.memref_squeeze %dma_start3A_107 : memref<1x128xi32, #tpu.memory_space<vmem>> -> memref<128xi32, #tpu.memory_space<vmem>>
      %dma_start3A_109 = arith.constant 0 : i32
      %dma_start3A_110 = arith.constant 0 : i32
      %dma_start3A_111 = tpu.memref_slice %arg11[%dma_start3A_109, %dma_start3A_110] : memref<10240x128xf32, #tpu.memory_space<vmem_shared>> -> memref<10240x128xf32, #tpu.memory_space<vmem_shared>>
      tpu.enqueue_indirect_dma source(%arg9 : memref<128x128xf32, #tpu.memory_space<vmem>>) target(%dma_start3A_111 : memref<10240x128xf32, #tpu.memory_space<vmem_shared>>) offsets(%dma_start3A_108 : memref<128xi32, #tpu.memory_space<vmem>>) semaphore(%arg14 : memref<!tpu.dma_semaphore, #tpu.memory_space<semaphore_mem>>) {add = true}
    }
    %scan3A_9 = arith.constant 20 : i32
    %dma_wait3A = arith.constant 0 : i32
    %dma_wait3A_10 = arith.constant 0 : i32
    %dma_wait3A_11 = tpu.memref_slice %arg7[%dma_wait3A, %dma_wait3A_10] : memref<40x128xi32, #tpu.memory_space<vmem>> -> memref<1x128xi32, #tpu.memory_space<vmem>>
    %dma_wait3A_12 = tpu.memref_squeeze %dma_wait3A_11 : memref<1x128xi32, #tpu.memory_space<vmem>> -> memref<128xi32, #tpu.memory_space<vmem>>
    %dma_wait3A_13 = arith.constant 0 : i32
    %dma_wait3A_14 = arith.constant 0 : i32
    %dma_wait3A_15 = tpu.memref_slice %arg2[%dma_wait3A_13, %dma_wait3A_14] : memref<10000x128xf32, #tpu.memory_space<hbm>> -> memref<10000x128xf32, #tpu.memory_space<hbm>>
    tpu.wait_indirect_dma semaphore(%arg13 : memref<!tpu.dma_semaphore, #tpu.memory_space<semaphore_mem>>) src(%dma_wait3A_15 : memref<10000x128xf32, #tpu.memory_space<hbm>>) dst(%arg10 : memref<128x128xf32, #tpu.memory_space<vmem>>)
    %dma_start3A = arith.constant 39 : i32
    %dma_start3A_16 = arith.constant 0 : i32
    %dma_start3A_17 = tpu.memref_slice %arg8[%dma_start3A, %dma_start3A_16] : memref<40x128xi32, #tpu.memory_space<vmem>> -> memref<1x128xi32, #tpu.memory_space<vmem>>
    %dma_start3A_18 = tpu.memref_squeeze %dma_start3A_17 : memref<1x128xi32, #tpu.memory_space<vmem>> -> memref<128xi32, #tpu.memory_space<vmem>>
    %dma_start3A_19 = arith.constant 0 : i32
    %dma_start3A_20 = arith.constant 0 : i32
    %dma_start3A_21 = tpu.memref_slice %arg11[%dma_start3A_19, %dma_start3A_20] : memref<10240x128xf32, #tpu.memory_space<vmem_shared>> -> memref<10240x128xf32, #tpu.memory_space<vmem_shared>>
    tpu.enqueue_indirect_dma source(%arg10 : memref<128x128xf32, #tpu.memory_space<vmem>>) target(%dma_start3A_21 : memref<10240x128xf32, #tpu.memory_space<vmem_shared>>) offsets(%dma_start3A_18 : memref<128xi32, #tpu.memory_space<vmem>>) semaphore(%arg15 : memref<!tpu.dma_semaphore, #tpu.memory_space<semaphore_mem>>) {add = true}
    %dma_wait3A_22 = arith.constant 0 : i32
    %dma_wait3A_23 = arith.constant 0 : i32
    %dma_wait3A_24 = tpu.memref_slice %arg8[%dma_wait3A_22, %dma_wait3A_23] : memref<40x128xi32, #tpu.memory_space<vmem>> -> memref<1x128xi32, #tpu.memory_space<vmem>>
    %dma_wait3A_25 = tpu.memref_squeeze %dma_wait3A_24 : memref<1x128xi32, #tpu.memory_space<vmem>> -> memref<128xi32, #tpu.memory_space<vmem>>
    %dma_wait3A_26 = arith.constant 0 : i32
    %dma_wait3A_27 = arith.constant 0 : i32
    %dma_wait3A_28 = tpu.memref_slice %arg11[%dma_wait3A_26, %dma_wait3A_27] : memref<10240x128xf32, #tpu.memory_space<vmem_shared>> -> memref<10240x128xf32, #tpu.memory_space<vmem_shared>>
    tpu.wait_indirect_dma semaphore(%arg14 : memref<!tpu.dma_semaphore, #tpu.memory_space<semaphore_mem>>) src(%arg9 : memref<128x128xf32, #tpu.memory_space<vmem>>) dst(%dma_wait3A_28 : memref<10240x128xf32, #tpu.memory_space<vmem_shared>>)
    %dma_wait3A_29 = arith.constant 0 : i32
    %dma_wait3A_30 = arith.constant 0 : i32
    %dma_wait3A_31 = tpu.memref_slice %arg8[%dma_wait3A_29, %dma_wait3A_30] : memref<40x128xi32, #tpu.memory_space<vmem>> -> memref<1x128xi32, #tpu.memory_space<vmem>>
    %dma_wait3A_32 = tpu.memref_squeeze %dma_wait3A_31 : memref<1x128xi32, #tpu.memory_space<vmem>> -> memref<128xi32, #tpu.memory_space<vmem>>
    %dma_wait3A_33 = arith.constant 0 : i32
    %dma_wait3A_34 = arith.constant 0 : i32
    %dma_wait3A_35 = tpu.memref_slice %arg11[%dma_wait3A_33, %dma_wait3A_34] : memref<10240x128xf32, #tpu.memory_space<vmem_shared>> -> memref<10240x128xf32, #tpu.memory_space<vmem_shared>>
    tpu.wait_indirect_dma semaphore(%arg15 : memref<!tpu.dma_semaphore, #tpu.memory_space<semaphore_mem>>) src(%arg10 : memref<128x128xf32, #tpu.memory_space<vmem>>) dst(%dma_wait3A_35 : memref<10240x128xf32, #tpu.memory_space<vmem_shared>>)
    "tpu.region"() ({
      %run_scoped3A = tpu.sem_alloc : memref<!tpu.dma_semaphore, #tpu.memory_space<semaphore_mem>>
      %dma_start3A_75 = arith.constant 40 : i32
      %dma_start3A_76 = arith.constant 0 : i32
      %dma_start3A_77 = tpu.memref_slice %arg3[%add3A, %dma_start3A_75, %dma_start3A_76] : memref<32x80x128xi32, #tpu.memory_space<hbm>> -> memref<1x40x128xi32, #tpu.memory_space<hbm>>
      %dma_start3A_78 = tpu.memref_squeeze %dma_start3A_77 : memref<1x40x128xi32, #tpu.memory_space<hbm>> -> memref<40x128xi32, #tpu.memory_space<hbm>>
      %dma_start3A_79 = arith.constant 40 : i32
      %dma_start3A_80 = arith.constant 0 : i32
      %dma_start3A_81 = tpu.memref_slice %arg3[%add3A, %dma_start3A_79, %dma_start3A_80] : memref<32x80x128xi32, #tpu.memory_space<hbm>> -> memref<1x40x128xi32, #tpu.memory_space<hbm>>
      %dma_start3A_82 = tpu.memref_squeeze %dma_start3A_81 : memref<1x40x128xi32, #tpu.memory_space<hbm>> -> memref<40x128xi32, #tpu.memory_space<hbm>>
      tpu.enqueue_dma source(%dma_start3A_82 : memref<40x128xi32, #tpu.memory_space<hbm>>) target(%arg7 : memref<40x128xi32, #tpu.memory_space<vmem>>) target_semaphore(%run_scoped3A : memref<!tpu.dma_semaphore, #tpu.memory_space<semaphore_mem>>)
      %dma_wait3A_83 = arith.constant 40 : i32
      %dma_wait3A_84 = arith.constant 0 : i32
      %dma_wait3A_85 = tpu.memref_slice %arg3[%add3A, %dma_wait3A_83, %dma_wait3A_84] : memref<32x80x128xi32, #tpu.memory_space<hbm>> -> memref<1x40x128xi32, #tpu.memory_space<hbm>>
      %dma_wait3A_86 = tpu.memref_squeeze %dma_wait3A_85 : memref<1x40x128xi32, #tpu.memory_space<hbm>> -> memref<40x128xi32, #tpu.memory_space<hbm>>
      %dma_wait3A_87 = arith.constant 40 : i32
      %dma_wait3A_88 = arith.constant 0 : i32
      %dma_wait3A_89 = tpu.memref_slice %arg3[%add3A, %dma_wait3A_87, %dma_wait3A_88] : memref<32x80x128xi32, #tpu.memory_space<hbm>> -> memref<1x40x128xi32, #tpu.memory_space<hbm>>
      %dma_wait3A_90 = tpu.memref_squeeze %dma_wait3A_89 : memref<1x40x128xi32, #tpu.memory_space<hbm>> -> memref<40x128xi32, #tpu.memory_space<hbm>>
      tpu.wait_dma2 semaphore(%run_scoped3A : memref<!tpu.dma_semaphore, #tpu.memory_space<semaphore_mem>>) src(%dma_wait3A_90 : memref<40x128xi32, #tpu.memory_space<hbm>>) dst(%arg7 : memref<40x128xi32, #tpu.memory_space<vmem>>)
      tpu.yield
    }) : () -> ()
    "tpu.region"() ({
      %run_scoped3A = tpu.sem_alloc : memref<!tpu.dma_semaphore, #tpu.memory_space<semaphore_mem>>
      %dma_start3A_75 = arith.constant 40 : i32
      %dma_start3A_76 = arith.constant 0 : i32
      %dma_start3A_77 = tpu.memref_slice %arg4[%add3A, %dma_start3A_75, %dma_start3A_76] : memref<32x80x128xi32, #tpu.memory_space<hbm>> -> memref<1x40x128xi32, #tpu.memory_space<hbm>>
      %dma_start3A_78 = tpu.memref_squeeze %dma_start3A_77 : memref<1x40x128xi32, #tpu.memory_space<hbm>> -> memref<40x128xi32, #tpu.memory_space<hbm>>
      %dma_start3A_79 = arith.constant 40 : i32
      %dma_start3A_80 = arith.constant 0 : i32
      %dma_start3A_81 = tpu.memref_slice %arg4[%add3A, %dma_start3A_79, %dma_start3A_80] : memref<32x80x128xi32, #tpu.memory_space<hbm>> -> memref<1x40x128xi32, #tpu.memory_space<hbm>>
      %dma_start3A_82 = tpu.memref_squeeze %dma_start3A_81 : memref<1x40x128xi32, #tpu.memory_space<hbm>> -> memref<40x128xi32, #tpu.memory_space<hbm>>
      tpu.enqueue_dma source(%dma_start3A_82 : memref<40x128xi32, #tpu.memory_space<hbm>>) target(%arg8 : memref<40x128xi32, #tpu.memory_space<vmem>>) target_semaphore(%run_scoped3A : memref<!tpu.dma_semaphore, #tpu.memory_space<semaphore_mem>>)
      %dma_wait3A_83 = arith.constant 40 : i32
      %dma_wait3A_84 = arith.constant 0 : i32
      %dma_wait3A_85 = tpu.memref_slice %arg4[%add3A, %dma_wait3A_83, %dma_wait3A_84] : memref<32x80x128xi32, #tpu.memory_space<hbm>> -> memref<1x40x128xi32, #tpu.memory_space<hbm>>
      %dma_wait3A_86 = tpu.memref_squeeze %dma_wait3A_85 : memref<1x40x128xi32, #tpu.memory_space<hbm>> -> memref<40x128xi32, #tpu.memory_space<hbm>>
      %dma_wait3A_87 = arith.constant 40 : i32
      %dma_wait3A_88 = arith.constant 0 : i32
      %dma_wait3A_89 = tpu.memref_slice %arg4[%add3A, %dma_wait3A_87, %dma_wait3A_88] : memref<32x80x128xi32, #tpu.memory_space<hbm>> -> memref<1x40x128xi32, #tpu.memory_space<hbm>>
      %dma_wait3A_90 = tpu.memref_squeeze %dma_wait3A_89 : memref<1x40x128xi32, #tpu.memory_space<hbm>> -> memref<40x128xi32, #tpu.memory_space<hbm>>
      tpu.wait_dma2 semaphore(%run_scoped3A : memref<!tpu.dma_semaphore, #tpu.memory_space<semaphore_mem>>) src(%dma_wait3A_90 : memref<40x128xi32, #tpu.memory_space<hbm>>) dst(%arg8 : memref<40x128xi32, #tpu.memory_space<vmem>>)
      tpu.yield
    }) : () -> ()
    %scan3A_36 = arith.constant 0 : i32
    %scan3A_37 = arith.constant 0 : i32
    %scan3A_38 = arith.constant 20 : i32
    %scan3A_39 = arith.addi %scan3A_37, %scan3A_38 : i32
    %scan3A_40 = arith.constant 1 : i32
    scf.for %scan3A_75 = %scan3A_37 to %scan3A_39 step %scan3A_40  : i32 {
      %mul3A_76 = arith.constant 2 : i32
      %mul3A_77 = arith.muli %mul3A_76, %scan3A_75 : i32
      %gt3A = arith.constant 0 : i32
      %gt3A_78 = arith.cmpi sgt, %scan3A_75, %gt3A : i32
      %convert_element_type3A = arith.extui %gt3A_78 : i1 to i32
      %cond3A = arith.constant 0 : i32
      %cond3A_79 = arith.cmpi ne, %convert_element_type3A, %cond3A : i32
      scf.if %cond3A_79 {
        %dma_wait3A_112 = arith.constant 0 : i32
        %dma_wait3A_113 = arith.constant 0 : i32
        %dma_wait3A_114 = tpu.memref_slice %arg8[%dma_wait3A_112, %dma_wait3A_113] : memref<40x128xi32, #tpu.memory_space<vmem>> -> memref<1x128xi32, #tpu.memory_space<vmem>>
        %dma_wait3A_115 = tpu.memref_squeeze %dma_wait3A_114 : memref<1x128xi32, #tpu.memory_space<vmem>> -> memref<128xi32, #tpu.memory_space<vmem>>
        %dma_wait3A_116 = arith.constant 0 : i32
        %dma_wait3A_117 = arith.constant 0 : i32
        %dma_wait3A_118 = tpu.memref_slice %arg11[%dma_wait3A_116, %dma_wait3A_117] : memref<10240x128xf32, #tpu.memory_space<vmem_shared>> -> memref<10240x128xf32, #tpu.memory_space<vmem_shared>>
        tpu.wait_indirect_dma semaphore(%arg14 : memref<!tpu.dma_semaphore, #tpu.memory_space<semaphore_mem>>) src(%arg9 : memref<128x128xf32, #tpu.memory_space<vmem>>) dst(%dma_wait3A_118 : memref<10240x128xf32, #tpu.memory_space<vmem_shared>>)
      } else {
      }
      %dma_start3A_80 = arith.constant 0 : i32
      %dma_start3A_81 = tpu.memref_slice %arg7[%mul3A_77, %dma_start3A_80] : memref<40x128xi32, #tpu.memory_space<vmem>> -> memref<1x128xi32, #tpu.memory_space<vmem>>
      %dma_start3A_82 = tpu.memref_squeeze %dma_start3A_81 : memref<1x128xi32, #tpu.memory_space<vmem>> -> memref<128xi32, #tpu.memory_space<vmem>>
      %dma_start3A_83 = arith.constant 0 : i32
      %dma_start3A_84 = arith.constant 0 : i32
      %dma_start3A_85 = tpu.memref_slice %arg2[%dma_start3A_83, %dma_start3A_84] : memref<10000x128xf32, #tpu.memory_space<hbm>> -> memref<10000x128xf32, #tpu.memory_space<hbm>>
      tpu.enqueue_indirect_dma source(%dma_start3A_85 : memref<10000x128xf32, #tpu.memory_space<hbm>>) target(%arg9 : memref<128x128xf32, #tpu.memory_space<vmem>>) offsets(%dma_start3A_82 : memref<128xi32, #tpu.memory_space<vmem>>) semaphore(%arg12 : memref<!tpu.dma_semaphore, #tpu.memory_space<semaphore_mem>>)
      %gt3A_86 = arith.constant 0 : i32
      %gt3A_87 = arith.cmpi sgt, %scan3A_75, %gt3A_86 : i32
      %convert_element_type3A_88 = arith.extui %gt3A_87 : i1 to i32
      %cond3A_89 = arith.constant 0 : i32
      %cond3A_90 = arith.cmpi ne, %convert_element_type3A_88, %cond3A_89 : i32
      scf.if %cond3A_90 {
        %dma_wait3A_112 = arith.constant 0 : i32
        %dma_wait3A_113 = arith.constant 0 : i32
        %dma_wait3A_114 = tpu.memref_slice %arg7[%dma_wait3A_112, %dma_wait3A_113] : memref<40x128xi32, #tpu.memory_space<vmem>> -> memref<1x128xi32, #tpu.memory_space<vmem>>
        %dma_wait3A_115 = tpu.memref_squeeze %dma_wait3A_114 : memref<1x128xi32, #tpu.memory_space<vmem>> -> memref<128xi32, #tpu.memory_space<vmem>>
        %dma_wait3A_116 = arith.constant 0 : i32
        %dma_wait3A_117 = arith.constant 0 : i32
        %dma_wait3A_118 = tpu.memref_slice %arg2[%dma_wait3A_116, %dma_wait3A_117] : memref<10000x128xf32, #tpu.memory_space<hbm>> -> memref<10000x128xf32, #tpu.memory_space<hbm>>
        tpu.wait_indirect_dma semaphore(%arg13 : memref<!tpu.dma_semaphore, #tpu.memory_space<semaphore_mem>>) src(%dma_wait3A_118 : memref<10000x128xf32, #tpu.memory_space<hbm>>) dst(%arg10 : memref<128x128xf32, #tpu.memory_space<vmem>>)
        %sub3A = arith.constant 1 : i32
        %sub3A_119 = arith.subi %mul3A_77, %sub3A : i32
        %dma_start3A_120 = arith.constant 0 : i32
        %dma_start3A_121 = tpu.memref_slice %arg8[%sub3A_119, %dma_start3A_120] : memref<40x128xi32, #tpu.memory_space<vmem>> -> memref<1x128xi32, #tpu.memory_space<vmem>>
        %dma_start3A_122 = tpu.memref_squeeze %dma_start3A_121 : memref<1x128xi32, #tpu.memory_space<vmem>> -> memref<128xi32, #tpu.memory_space<vmem>>
        %dma_start3A_123 = arith.constant 0 : i32
        %dma_start3A_124 = arith.constant 0 : i32
        %dma_start3A_125 = tpu.memref_slice %arg11[%dma_start3A_123, %dma_start3A_124] : memref<10240x128xf32, #tpu.memory_space<vmem_shared>> -> memref<10240x128xf32, #tpu.memory_space<vmem_shared>>
        tpu.enqueue_indirect_dma source(%arg10 : memref<128x128xf32, #tpu.memory_space<vmem>>) target(%dma_start3A_125 : memref<10240x128xf32, #tpu.memory_space<vmem_shared>>) offsets(%dma_start3A_122 : memref<128xi32, #tpu.memory_space<vmem>>) semaphore(%arg15 : memref<!tpu.dma_semaphore, #tpu.memory_space<semaphore_mem>>) {add = true}
        %dma_wait3A_126 = arith.constant 0 : i32
        %dma_wait3A_127 = arith.constant 0 : i32
        %dma_wait3A_128 = tpu.memref_slice %arg8[%dma_wait3A_126, %dma_wait3A_127] : memref<40x128xi32, #tpu.memory_space<vmem>> -> memref<1x128xi32, #tpu.memory_space<vmem>>
        %dma_wait3A_129 = tpu.memref_squeeze %dma_wait3A_128 : memref<1x128xi32, #tpu.memory_space<vmem>> -> memref<128xi32, #tpu.memory_space<vmem>>
        %dma_wait3A_130 = arith.constant 0 : i32
        %dma_wait3A_131 = arith.constant 0 : i32
        %dma_wait3A_132 = tpu.memref_slice %arg11[%dma_wait3A_130, %dma_wait3A_131] : memref<10240x128xf32, #tpu.memory_space<vmem_shared>> -> memref<10240x128xf32, #tpu.memory_space<vmem_shared>>
        tpu.wait_indirect_dma semaphore(%arg15 : memref<!tpu.dma_semaphore, #tpu.memory_space<semaphore_mem>>) src(%arg10 : memref<128x128xf32, #tpu.memory_space<vmem>>) dst(%dma_wait3A_132 : memref<10240x128xf32, #tpu.memory_space<vmem_shared>>)
      } else {
      }
      %add3A_91 = arith.constant 1 : i32
      %add3A_92 = arith.addi %mul3A_77, %add3A_91 : i32
      %dma_start3A_93 = arith.constant 0 : i32
      %dma_start3A_94 = tpu.memref_slice %arg7[%add3A_92, %dma_start3A_93] : memref<40x128xi32, #tpu.memory_space<vmem>> -> memref<1x128xi32, #tpu.memory_space<vmem>>
      %dma_start3A_95 = tpu.memref_squeeze %dma_start3A_94 : memref<1x128xi32, #tpu.memory_space<vmem>> -> memref<128xi32, #tpu.memory_space<vmem>>
      %dma_start3A_96 = arith.constant 0 : i32
      %dma_start3A_97 = arith.constant 0 : i32
      %dma_start3A_98 = tpu.memref_slice %arg2[%dma_start3A_96, %dma_start3A_97] : memref<10000x128xf32, #tpu.memory_space<hbm>> -> memref<10000x128xf32, #tpu.memory_space<hbm>>
      tpu.enqueue_indirect_dma source(%dma_start3A_98 : memref<10000x128xf32, #tpu.memory_space<hbm>>) target(%arg10 : memref<128x128xf32, #tpu.memory_space<vmem>>) offsets(%dma_start3A_95 : memref<128xi32, #tpu.memory_space<vmem>>) semaphore(%arg13 : memref<!tpu.dma_semaphore, #tpu.memory_space<semaphore_mem>>)
      %dma_wait3A_99 = arith.constant 0 : i32
      %dma_wait3A_100 = arith.constant 0 : i32
      %dma_wait3A_101 = tpu.memref_slice %arg7[%dma_wait3A_99, %dma_wait3A_100] : memref<40x128xi32, #tpu.memory_space<vmem>> -> memref<1x128xi32, #tpu.memory_space<vmem>>
      %dma_wait3A_102 = tpu.memref_squeeze %dma_wait3A_101 : memref<1x128xi32, #tpu.memory_space<vmem>> -> memref<128xi32, #tpu.memory_space<vmem>>
      %dma_wait3A_103 = arith.constant 0 : i32
      %dma_wait3A_104 = arith.constant 0 : i32
      %dma_wait3A_105 = tpu.memref_slice %arg2[%dma_wait3A_103, %dma_wait3A_104] : memref<10000x128xf32, #tpu.memory_space<hbm>> -> memref<10000x128xf32, #tpu.memory_space<hbm>>
      tpu.wait_indirect_dma semaphore(%arg12 : memref<!tpu.dma_semaphore, #tpu.memory_space<semaphore_mem>>) src(%dma_wait3A_105 : memref<10000x128xf32, #tpu.memory_space<hbm>>) dst(%arg9 : memref<128x128xf32, #tpu.memory_space<vmem>>)
      %dma_start3A_106 = arith.constant 0 : i32
      %dma_start3A_107 = tpu.memref_slice %arg8[%mul3A_77, %dma_start3A_106] : memref<40x128xi32, #tpu.memory_space<vmem>> -> memref<1x128xi32, #tpu.memory_space<vmem>>
      %dma_start3A_108 = tpu.memref_squeeze %dma_start3A_107 : memref<1x128xi32, #tpu.memory_space<vmem>> -> memref<128xi32, #tpu.memory_space<vmem>>
      %dma_start3A_109 = arith.constant 0 : i32
      %dma_start3A_110 = arith.constant 0 : i32
      %dma_start3A_111 = tpu.memref_slice %arg11[%dma_start3A_109, %dma_start3A_110] : memref<10240x128xf32, #tpu.memory_space<vmem_shared>> -> memref<10240x128xf32, #tpu.memory_space<vmem_shared>>
      tpu.enqueue_indirect_dma source(%arg9 : memref<128x128xf32, #tpu.memory_space<vmem>>) target(%dma_start3A_111 : memref<10240x128xf32, #tpu.memory_space<vmem_shared>>) offsets(%dma_start3A_108 : memref<128xi32, #tpu.memory_space<vmem>>) semaphore(%arg14 : memref<!tpu.dma_semaphore, #tpu.memory_space<semaphore_mem>>) {add = true}
    }
    %scan3A_41 = arith.constant 20 : i32
    %dma_wait3A_42 = arith.constant 0 : i32
    %dma_wait3A_43 = arith.constant 0 : i32
    %dma_wait3A_44 = tpu.memref_slice %arg7[%dma_wait3A_42, %dma_wait3A_43] : memref<40x128xi32, #tpu.memory_space<vmem>> -> memref<1x128xi32, #tpu.memory_space<vmem>>
    %dma_wait3A_45 = tpu.memref_squeeze %dma_wait3A_44 : memref<1x128xi32, #tpu.memory_space<vmem>> -> memref<128xi32, #tpu.memory_space<vmem>>
    %dma_wait3A_46 = arith.constant 0 : i32
    %dma_wait3A_47 = arith.constant 0 : i32
    %dma_wait3A_48 = tpu.memref_slice %arg2[%dma_wait3A_46, %dma_wait3A_47] : memref<10000x128xf32, #tpu.memory_space<hbm>> -> memref<10000x128xf32, #tpu.memory_space<hbm>>
    tpu.wait_indirect_dma semaphore(%arg13 : memref<!tpu.dma_semaphore, #tpu.memory_space<semaphore_mem>>) src(%dma_wait3A_48 : memref<10000x128xf32, #tpu.memory_space<hbm>>) dst(%arg10 : memref<128x128xf32, #tpu.memory_space<vmem>>)
    %dma_start3A_49 = arith.constant 39 : i32
    %dma_start3A_50 = arith.constant 0 : i32
    %dma_start3A_51 = tpu.memref_slice %arg8[%dma_start3A_49, %dma_start3A_50] : memref<40x128xi32, #tpu.memory_space<vmem>> -> memref<1x128xi32, #tpu.memory_space<vmem>>
    %dma_start3A_52 = tpu.memref_squeeze %dma_start3A_51 : memref<1x128xi32, #tpu.memory_space<vmem>> -> memref<128xi32, #tpu.memory_space<vmem>>
    %dma_start3A_53 = arith.constant 0 : i32
    %dma_start3A_54 = arith.constant 0 : i32
    %dma_start3A_55 = tpu.memref_slice %arg11[%dma_start3A_53, %dma_start3A_54] : memref<10240x128xf32, #tpu.memory_space<vmem_shared>> -> memref<10240x128xf32, #tpu.memory_space<vmem_shared>>
    tpu.enqueue_indirect_dma source(%arg10 : memref<128x128xf32, #tpu.memory_space<vmem>>) target(%dma_start3A_55 : memref<10240x128xf32, #tpu.memory_space<vmem_shared>>) offsets(%dma_start3A_52 : memref<128xi32, #tpu.memory_space<vmem>>) semaphore(%arg15 : memref<!tpu.dma_semaphore, #tpu.memory_space<semaphore_mem>>) {add = true}
    %dma_wait3A_56 = arith.constant 0 : i32
    %dma_wait3A_57 = arith.constant 0 : i32
    %dma_wait3A_58 = tpu.memref_slice %arg8[%dma_wait3A_56, %dma_wait3A_57] : memref<40x128xi32, #tpu.memory_space<vmem>> -> memref<1x128xi32, #tpu.memory_space<vmem>>
    %dma_wait3A_59 = tpu.memref_squeeze %dma_wait3A_58 : memref<1x128xi32, #tpu.memory_space<vmem>> -> memref<128xi32, #tpu.memory_space<vmem>>
    %dma_wait3A_60 = arith.constant 0 : i32
    %dma_wait3A_61 = arith.constant 0 : i32
    %dma_wait3A_62 = tpu.memref_slice %arg11[%dma_wait3A_60, %dma_wait3A_61] : memref<10240x128xf32, #tpu.memory_space<vmem_shared>> -> memref<10240x128xf32, #tpu.memory_space<vmem_shared>>
    tpu.wait_indirect_dma semaphore(%arg14 : memref<!tpu.dma_semaphore, #tpu.memory_space<semaphore_mem>>) src(%arg9 : memref<128x128xf32, #tpu.memory_space<vmem>>) dst(%dma_wait3A_62 : memref<10240x128xf32, #tpu.memory_space<vmem_shared>>)
    %dma_wait3A_63 = arith.constant 0 : i32
    %dma_wait3A_64 = arith.constant 0 : i32
    %dma_wait3A_65 = tpu.memref_slice %arg8[%dma_wait3A_63, %dma_wait3A_64] : memref<40x128xi32, #tpu.memory_space<vmem>> -> memref<1x128xi32, #tpu.memory_space<vmem>>
    %dma_wait3A_66 = tpu.memref_squeeze %dma_wait3A_65 : memref<1x128xi32, #tpu.memory_space<vmem>> -> memref<128xi32, #tpu.memory_space<vmem>>
    %dma_wait3A_67 = arith.constant 0 : i32
    %dma_wait3A_68 = arith.constant 0 : i32
    %dma_wait3A_69 = tpu.memref_slice %arg11[%dma_wait3A_67, %dma_wait3A_68] : memref<10240x128xf32, #tpu.memory_space<vmem_shared>> -> memref<10240x128xf32, #tpu.memory_space<vmem_shared>>
    tpu.wait_indirect_dma semaphore(%arg15 : memref<!tpu.dma_semaphore, #tpu.memory_space<semaphore_mem>>) src(%arg10 : memref<128x128xf32, #tpu.memory_space<vmem>>) dst(%dma_wait3A_69 : memref<10240x128xf32, #tpu.memory_space<vmem_shared>>)
    %barrier3A_70 = arith.constant 0 : index
    tpu.barrier barrier_id(%barrier3A_70)
    %mul3A_71 = arith.constant 640 : i32
    %mul3A_72 = arith.muli %arg1, %mul3A_71 : i32
    %mul3A_73 = arith.constant 640 : i32
    %mul3A_74 = arith.muli %arg1, %mul3A_73 : i32
    "tpu.region"() ({
      %run_scoped3A = tpu.sem_alloc : memref<!tpu.dma_semaphore, #tpu.memory_space<semaphore_mem>>
      %dma_start3A_75 = arith.constant 0 : i32
      %dma_start3A_76 = tpu.memref_slice %arg6[%arg0, %mul3A_74, %dma_start3A_75] : memref<2x10240x128xf32, #tpu.memory_space<hbm>> -> memref<1x640x128xf32, #tpu.memory_space<hbm>>
      %dma_start3A_77 = tpu.memref_squeeze %dma_start3A_76 : memref<1x640x128xf32, #tpu.memory_space<hbm>> -> memref<640x128xf32, #tpu.memory_space<hbm>>
      %dma_start3A_78 = arith.constant 0 : i32
      %dma_start3A_79 = tpu.memref_slice %arg11[%mul3A_72, %dma_start3A_78] : memref<10240x128xf32, #tpu.memory_space<vmem_shared>> -> memref<640x128xf32, #tpu.memory_space<vmem_shared>>
      tpu.enqueue_dma source(%dma_start3A_79 : memref<640x128xf32, #tpu.memory_space<vmem_shared>>) target(%dma_start3A_77 : memref<640x128xf32, #tpu.memory_space<hbm>>) target_semaphore(%run_scoped3A : memref<!tpu.dma_semaphore, #tpu.memory_space<semaphore_mem>>)
      %dma_wait3A_80 = arith.constant 0 : i32
      %dma_wait3A_81 = tpu.memref_slice %arg6[%arg0, %mul3A_74, %dma_wait3A_80] : memref<2x10240x128xf32, #tpu.memory_space<hbm>> -> memref<1x640x128xf32, #tpu.memory_space<hbm>>
      %dma_wait3A_82 = tpu.memref_squeeze %dma_wait3A_81 : memref<1x640x128xf32, #tpu.memory_space<hbm>> -> memref<640x128xf32, #tpu.memory_space<hbm>>
      %dma_wait3A_83 = arith.constant 0 : i32
      %dma_wait3A_84 = tpu.memref_slice %arg11[%mul3A_72, %dma_wait3A_83] : memref<10240x128xf32, #tpu.memory_space<vmem_shared>> -> memref<640x128xf32, #tpu.memory_space<vmem_shared>>
      tpu.wait_dma2 semaphore(%run_scoped3A : memref<!tpu.dma_semaphore, #tpu.memory_space<semaphore_mem>>) src(%dma_wait3A_84 : memref<640x128xf32, #tpu.memory_space<vmem_shared>>) dst(%dma_wait3A_82 : memref<640x128xf32, #tpu.memory_space<hbm>>)
      tpu.yield
    }) : () -> ()
    return
  }
}

module attributes {stable_mosaic.version = 14 : i64} {
  func.func @_tc_mm_body(%arg0: i32, %arg1: memref<1000x128xf32, #tpu.memory_space<vmem>>, %arg2: memref<128x128xf32, #tpu.memory_space<vmem>>, %arg3: memref<1000x128xf32, #tpu.memory_space<vmem>>) attributes {dimension_semantics = [#tpu.dimension_semantics<arbitrary>], iteration_bounds = array<i64: 10>, scalar_prefetch = 0 : i64, scratch_operands = 0 : i64, tpu.core_type = #tpu.core_type<tc>, window_params = [{transform_indices = @transform_0, window_bounds = array<i64: 1000, 128>}, {pipeline_mode = #tpu.pipeline_mode<synchronous>, transform_indices = @transform_1, window_bounds = array<i64: 128, 128>}, {transform_indices = @transform_2, window_bounds = array<i64: 1000, 128>}]} {
    %get3A = arith.constant 0 : index
    %get3A_0 = arith.constant 0 : index
    %get3A_1 = vector.load %arg1[%get3A, %get3A_0] : memref<1000x128xf32, #tpu.memory_space<vmem>>, vector<1000x128xf32>
    %get3A_2 = arith.constant 0 : index
    %get3A_3 = arith.constant 0 : index
    %get3A_4 = vector.load %arg2[%get3A_2, %get3A_3] : memref<128x128xf32, #tpu.memory_space<vmem>>, vector<128x128xf32>
    %dot_general3A = arith.constant dense<0.000000e+00> : vector<1000x128xf32>
    %dot_general3A_5 = tpu.matmul %get3A_1, %get3A_4, %dot_general3A {dimension_numbers = #tpu.dot_dimension_numbers<[1], [0], [0], [1], [0, 0, 1, 1], [], []>, transpose_lhs_hint = false} : vector<1000x128xf32>, vector<128x128xf32>, vector<1000x128xf32> -> vector<1000x128xf32>
    %swap3A = arith.constant 0 : index
    %swap3A_6 = arith.constant 0 : index
    %swap3A_7 = vector.load %arg3[%swap3A, %swap3A_6] : memref<1000x128xf32, #tpu.memory_space<vmem>>, vector<1000x128xf32>
    tpu.vector_store %arg3[%swap3A, %swap3A_6], %dot_general3A_5 {strides = array<i32>} : memref<1000x128xf32, #tpu.memory_space<vmem>>, vector<1000x128xf32>,
    return
  }
  func.func @transform_0(%arg0: i32) -> (i32, i32) {
    %c0_i32 = arith.constant 0 : i32
    %c0_i32_0 = arith.constant 0 : i32
    return %arg0, %c0_i32 : i32, i32
  }
  func.func @transform_1(%arg0: i32) -> (i32, i32) {
    %c0_i32 = arith.constant 0 : i32
    %c0_i32_0 = arith.constant 0 : i32
    %c0_i32_1 = arith.constant 0 : i32
    return %c0_i32, %c0_i32_0 : i32, i32
  }
  func.func @transform_2(%arg0: i32) -> (i32, i32) {
    %c0_i32 = arith.constant 0 : i32
    %c0_i32_0 = arith.constant 0 : i32
    return %arg0, %c0_i32 : i32, i32
  }
}

module attributes {stable_mosaic.version = 14 : i64} {
  func.func @_tc_prep_body(%arg0: i32, %arg1: memref<1000x128xf32, #tpu.memory_space<vmem>>, %arg2: memref<1000x1xf32, #tpu.memory_space<vmem>>, %arg3: memref<1000x1xf32, #tpu.memory_space<vmem>>, %arg4: memref<1000x128xf32, #tpu.memory_space<vmem>>, %arg5: memref<1000x1xf32, #tpu.memory_space<vmem>>) attributes {dimension_semantics = [#tpu.dimension_semantics<arbitrary>], iteration_bounds = array<i64: 10>, scalar_prefetch = 0 : i64, scratch_operands = 0 : i64, tpu.core_type = #tpu.core_type<tc>, window_params = [{transform_indices = @transform_0, window_bounds = array<i64: 1000, 128>}, {transform_indices = @transform_1, window_bounds = array<i64: 1000, 1>}, {transform_indices = @transform_2, window_bounds = array<i64: 1000, 1>}, {transform_indices = @transform_3, window_bounds = array<i64: 1000, 128>}, {transform_indices = @transform_4, window_bounds = array<i64: 1000, 1>}]} {
    %get3A = arith.constant 0 : index
    %get3A_0 = arith.constant 0 : index
    %get3A_1 = vector.load %arg2[%get3A, %get3A_0] : memref<1000x1xf32, #tpu.memory_space<vmem>>, vector<1000x1xf32>
    %get3A_2 = arith.constant 0 : index
    %get3A_3 = arith.constant 0 : index
    %get3A_4 = vector.load %arg3[%get3A_2, %get3A_3] : memref<1000x1xf32, #tpu.memory_space<vmem>>, vector<1000x1xf32>
    %add3A = arith.addf %get3A_1, %get3A_4 : vector<1000x1xf32>
    %add3A_5 = arith.constant 1.000000e+00 : f32
    %add3A_6 = vector.broadcast %add3A_5 : f32 to vector<1000x1xf32>
    %add3A_7 = arith.addf %add3A, %add3A_6 : vector<1000x1xf32>
    %rsqrt3A = math.rsqrt %add3A_7 : vector<1000x1xf32>
    %get3A_8 = arith.constant 0 : index
    %get3A_9 = arith.constant 0 : index
    %get3A_10 = vector.load %arg1[%get3A_8, %get3A_9] : memref<1000x128xf32, #tpu.memory_space<vmem>>, vector<1000x128xf32>
    %mul3A = vector.broadcast %rsqrt3A : vector<1000x1xf32> to vector<1000x128xf32>
    %mul3A_11 = arith.mulf %get3A_10, %mul3A : vector<1000x128xf32>
    %swap3A = arith.constant 0 : index
    %swap3A_12 = arith.constant 0 : index
    %swap3A_13 = vector.load %arg4[%swap3A, %swap3A_12] : memref<1000x128xf32, #tpu.memory_space<vmem>>, vector<1000x128xf32>
    tpu.vector_store %arg4[%swap3A, %swap3A_12], %mul3A_11 {strides = array<i32>} : memref<1000x128xf32, #tpu.memory_space<vmem>>, vector<1000x128xf32>,
    %swap3A_14 = arith.constant 0 : index
    %swap3A_15 = arith.constant 0 : index
    %swap3A_16 = vector.load %arg5[%swap3A_14, %swap3A_15] : memref<1000x1xf32, #tpu.memory_space<vmem>>, vector<1000x1xf32>
    tpu.vector_store %arg5[%swap3A_14, %swap3A_15], %rsqrt3A {strides = array<i32>} : memref<1000x1xf32, #tpu.memory_space<vmem>>, vector<1000x1xf32>,
    return
  }
  func.func @transform_0(%arg0: i32) -> (i32, i32) {
    %c0_i32 = arith.constant 0 : i32
    %c0_i32_0 = arith.constant 0 : i32
    return %arg0, %c0_i32 : i32, i32
  }
  func.func @transform_1(%arg0: i32) -> (i32, i32) {
    %c0_i32 = arith.constant 0 : i32
    %c0_i32_0 = arith.constant 0 : i32
    return %arg0, %c0_i32 : i32, i32
  }
  func.func @transform_2(%arg0: i32) -> (i32, i32) {
    %c0_i32 = arith.constant 0 : i32
    %c0_i32_0 = arith.constant 0 : i32
    return %arg0, %c0_i32 : i32, i32
  }
  func.func @transform_3(%arg0: i32) -> (i32, i32) {
    %c0_i32 = arith.constant 0 : i32
    %c0_i32_0 = arith.constant 0 : i32
    return %arg0, %c0_i32 : i32, i32
  }
  func.func @transform_4(%arg0: i32) -> (i32, i32) {
    %c0_i32 = arith.constant 0 : i32
    %c0_i32_0 = arith.constant 0 : i32
    return %arg0, %c0_i32 : i32, i32
  }
}

module attributes {stable_mosaic.version = 14 : i64} {
  func.func @_tc_fin_body(%arg0: i32, %arg1: memref<1000x128xf32, #tpu.memory_space<vmem>>, %arg2: memref<1000x128xf32, #tpu.memory_space<vmem>>, %arg3: memref<1000x128xf32, #tpu.memory_space<vmem>>, %arg4: memref<1000x1xf32, #tpu.memory_space<vmem>>, %arg5: memref<1000x1xf32, #tpu.memory_space<vmem>>, %arg6: memref<1000x1xf32, #tpu.memory_space<vmem>>, %arg7: memref<1x128xf32, #tpu.memory_space<vmem>>, %arg8: memref<128x128xf32, #tpu.memory_space<vmem>>, %arg9: memref<1x128xf32, #tpu.memory_space<vmem>>, %arg10: memref<1x128xf32, #tpu.memory_space<vmem>>, %arg11: memref<1x128xf32, #tpu.memory_space<vmem>>) attributes {dimension_semantics = [#tpu.dimension_semantics<arbitrary>], iteration_bounds = array<i64: 10>, scalar_prefetch = 0 : i64, scratch_operands = 1 : i64, tpu.core_type = #tpu.core_type<tc>, window_params = [{transform_indices = @transform_0, window_bounds = array<i64: 1000, 128>}, {transform_indices = @transform_1, window_bounds = array<i64: 1000, 128>}, {transform_indices = @transform_2, window_bounds = array<i64: 1000, 128>}, {transform_indices = @transform_3, window_bounds = array<i64: 1000, 1>}, {transform_indices = @transform_4, window_bounds = array<i64: 1000, 1>}, {transform_indices = @transform_5, window_bounds = array<i64: 1000, 1>}, {pipeline_mode = #tpu.pipeline_mode<synchronous>, transform_indices = @transform_6, window_bounds = array<i64: 1, 128>}, {pipeline_mode = #tpu.pipeline_mode<synchronous>, transform_indices = @transform_7, window_bounds = array<i64: 128, 128>}, {pipeline_mode = #tpu.pipeline_mode<synchronous>, transform_indices = @transform_8, window_bounds = array<i64: 1, 128>}, {pipeline_mode = #tpu.pipeline_mode<synchronous>, transform_indices = @transform_9, window_bounds = array<i64: 1, 128>}]} {
    %eq3A = arith.constant 0 : i32
    %eq3A_0 = arith.cmpi eq, %arg0, %eq3A : i32
    %convert_element_type3A = arith.extui %eq3A_0 : i1 to i32
    %cond3A = arith.constant 0 : i32
    %cond3A_1 = arith.cmpi ne, %convert_element_type3A, %cond3A : i32
    scf.if %cond3A_1 {
      %broadcast_in_dim3A_45 = arith.constant 0.000000e+00 : f32
      %broadcast_in_dim3A_46 = vector.broadcast %broadcast_in_dim3A_45 : f32 to vector<1x128xf32>
      %swap3A_47 = arith.constant 0 : index
      %swap3A_48 = arith.constant 0 : index
      %swap3A_49 = vector.load %arg11[%swap3A_47, %swap3A_48] : memref<1x128xf32, #tpu.memory_space<vmem>>, vector<1x128xf32>
      tpu.vector_store %arg11[%swap3A_47, %swap3A_48], %broadcast_in_dim3A_46 {strides = array<i32>} : memref<1x128xf32, #tpu.memory_space<vmem>>, vector<1x128xf32>,
    } else {
    }
    %get3A = arith.constant 0 : index
    %get3A_2 = arith.constant 0 : index
    %get3A_3 = vector.load %arg4[%get3A, %get3A_2] : memref<1000x1xf32, #tpu.memory_space<vmem>>, vector<1000x1xf32>
    %get3A_4 = arith.constant 0 : index
    %get3A_5 = arith.constant 0 : index
    %get3A_6 = vector.load %arg1[%get3A_4, %get3A_5] : memref<1000x128xf32, #tpu.memory_space<vmem>>, vector<1000x128xf32>
    %get3A_7 = arith.constant 0 : index
    %get3A_8 = arith.constant 0 : index
    %get3A_9 = vector.load %arg2[%get3A_7, %get3A_8] : memref<1000x128xf32, #tpu.memory_space<vmem>>, vector<1000x128xf32>
    %add3A = arith.addf %get3A_6, %get3A_9 : vector<1000x128xf32>
    %get3A_10 = arith.constant 0 : index
    %get3A_11 = arith.constant 0 : index
    %get3A_12 = vector.load %arg3[%get3A_10, %get3A_11] : memref<1000x128xf32, #tpu.memory_space<vmem>>, vector<1000x128xf32>
    %add3A_13 = arith.addf %add3A, %get3A_12 : vector<1000x128xf32>
    %mul3A = vector.broadcast %get3A_3 : vector<1000x1xf32> to vector<1000x128xf32>
    %mul3A_14 = arith.mulf %add3A_13, %mul3A : vector<1000x128xf32>
    %get3A_15 = arith.constant 0 : index
    %get3A_16 = arith.constant 0 : index
    %get3A_17 = vector.load %arg7[%get3A_15, %get3A_16] : memref<1x128xf32, #tpu.memory_space<vmem>>, vector<1x128xf32>
    %add3A_18 = vector.broadcast %get3A_17 : vector<1x128xf32> to vector<1000x128xf32>
    %add3A_19 = arith.addf %mul3A_14, %add3A_18 : vector<1000x128xf32>
    %max3A = arith.constant 0.000000e+00 : f32
    %max3A_20 = vector.broadcast %max3A : f32 to vector<1000x128xf32>
    %max3A_21 = arith.maximumf %add3A_19, %max3A_20 : vector<1000x128xf32>
    %get3A_22 = arith.constant 0 : index
    %get3A_23 = arith.constant 0 : index
    %get3A_24 = vector.load %arg5[%get3A_22, %get3A_23] : memref<1000x1xf32, #tpu.memory_space<vmem>>, vector<1000x1xf32>
    %get3A_25 = arith.constant 0 : index
    %get3A_26 = arith.constant 0 : index
    %get3A_27 = vector.load %arg6[%get3A_25, %get3A_26] : memref<1000x1xf32, #tpu.memory_space<vmem>>, vector<1000x1xf32>
    %add3A_28 = arith.addf %get3A_24, %get3A_27 : vector<1000x1xf32>
    %add3A_29 = arith.addf %add3A_28, %get3A_3 : vector<1000x1xf32>
    %mul3A_30 = arith.mulf %get3A_3, %add3A_29 : vector<1000x1xf32>
    %get3A_31 = arith.constant 0 : index
    %get3A_32 = arith.constant 0 : index
    %get3A_33 = vector.load %arg11[%get3A_31, %get3A_32] : memref<1x128xf32, #tpu.memory_space<vmem>>, vector<1x128xf32>
    %mul3A_34 = vector.broadcast %mul3A_30 : vector<1000x1xf32> to vector<1000x128xf32>
    %mul3A_35 = arith.mulf %max3A_21, %mul3A_34 : vector<1000x128xf32>
    %reduce_sum3A = arith.constant dense<0.000000e+00> : vector<128xf32>
    %reduce_sum3A_36 = vector.multi_reduction <add>, %mul3A_35, %reduce_sum3A [0] : vector<1000x128xf32> to vector<128xf32>
    %broadcast_in_dim3A = vector.shape_cast %reduce_sum3A_36 : vector<128xf32> to vector<1x128xf32>
    %add3A_37 = arith.addf %get3A_33, %broadcast_in_dim3A : vector<1x128xf32>
    %swap3A = arith.constant 0 : index
    %swap3A_38 = arith.constant 0 : index
    %swap3A_39 = vector.load %arg11[%swap3A, %swap3A_38] : memref<1x128xf32, #tpu.memory_space<vmem>>, vector<1x128xf32>
    tpu.vector_store %arg11[%swap3A, %swap3A_38], %add3A_37 {strides = array<i32>} : memref<1x128xf32, #tpu.memory_space<vmem>>, vector<1x128xf32>,
    %eq3A_40 = arith.constant 9 : i32
    %eq3A_41 = arith.cmpi eq, %arg0, %eq3A_40 : i32
    %convert_element_type3A_42 = arith.extui %eq3A_41 : i1 to i32
    %cond3A_43 = arith.constant 0 : i32
    %cond3A_44 = arith.cmpi ne, %convert_element_type3A_42, %cond3A_43 : i32
    scf.if %cond3A_44 {
      %get3A_45 = arith.constant 0 : index
      %get3A_46 = arith.constant 0 : index
      %get3A_47 = vector.load %arg11[%get3A_45, %get3A_46] : memref<1x128xf32, #tpu.memory_space<vmem>>, vector<1x128xf32>
      %mul3A_48 = arith.constant 9.99999974E-5 : f32
      %mul3A_49 = vector.broadcast %mul3A_48 : f32 to vector<1x128xf32>
      %mul3A_50 = arith.mulf %get3A_47, %mul3A_49 : vector<1x128xf32>
      %get3A_51 = arith.constant 0 : index
      %get3A_52 = arith.constant 0 : index
      %get3A_53 = vector.load %arg8[%get3A_51, %get3A_52] : memref<128x128xf32, #tpu.memory_space<vmem>>, vector<128x128xf32>
      %dot_general3A = arith.constant dense<0.000000e+00> : vector<1x128xf32>
      %dot_general3A_54 = tpu.matmul %mul3A_50, %get3A_53, %dot_general3A {dimension_numbers = #tpu.dot_dimension_numbers<[1], [0], [0], [1], [0, 0, 1, 1], [], []>, transpose_lhs_hint = false} : vector<1x128xf32>, vector<128x128xf32>, vector<1x128xf32> -> vector<1x128xf32>
      %get3A_55 = arith.constant 0 : index
      %get3A_56 = arith.constant 0 : index
      %get3A_57 = vector.load %arg9[%get3A_55, %get3A_56] : memref<1x128xf32, #tpu.memory_space<vmem>>, vector<1x128xf32>
      %add3A_58 = arith.addf %dot_general3A_54, %get3A_57 : vector<1x128xf32>
      %swap3A_59 = arith.constant 0 : index
      %swap3A_60 = arith.constant 0 : index
      %swap3A_61 = vector.load %arg10[%swap3A_59, %swap3A_60] : memref<1x128xf32, #tpu.memory_space<vmem>>, vector<1x128xf32>
      tpu.vector_store %arg10[%swap3A_59, %swap3A_60], %add3A_58 {strides = array<i32>} : memref<1x128xf32, #tpu.memory_space<vmem>>, vector<1x128xf32>,
    } else {
    }
    return
  }
  func.func @transform_0(%arg0: i32) -> (i32, i32) {
    %c0_i32 = arith.constant 0 : i32
    %c0_i32_0 = arith.constant 0 : i32
    return %arg0, %c0_i32 : i32, i32
  }
  func.func @transform_1(%arg0: i32) -> (i32, i32) {
    %c0_i32 = arith.constant 0 : i32
    %c0_i32_0 = arith.constant 0 : i32
    return %arg0, %c0_i32 : i32, i32
  }
  func.func @transform_2(%arg0: i32) -> (i32, i32) {
    %c0_i32 = arith.constant 0 : i32
    %c0_i32_0 = arith.constant 0 : i32
    return %arg0, %c0_i32 : i32, i32
  }
  func.func @transform_3(%arg0: i32) -> (i32, i32) {
    %c0_i32 = arith.constant 0 : i32
    %c0_i32_0 = arith.constant 0 : i32
    return %arg0, %c0_i32 : i32, i32
  }
  func.func @transform_4(%arg0: i32) -> (i32, i32) {
    %c0_i32 = arith.constant 0 : i32
    %c0_i32_0 = arith.constant 0 : i32
    return %arg0, %c0_i32 : i32, i32
  }
  func.func @transform_5(%arg0: i32) -> (i32, i32) {
    %c0_i32 = arith.constant 0 : i32
    %c0_i32_0 = arith.constant 0 : i32
    return %arg0, %c0_i32 : i32, i32
  }
  func.func @transform_6(%arg0: i32) -> (i32, i32) {
    %c0_i32 = arith.constant 0 : i32
    %c0_i32_0 = arith.constant 0 : i32
    %c0_i32_1 = arith.constant 0 : i32
    return %c0_i32, %c0_i32_0 : i32, i32
  }
  func.func @transform_7(%arg0: i32) -> (i32, i32) {
    %c0_i32 = arith.constant 0 : i32
    %c0_i32_0 = arith.constant 0 : i32
    %c0_i32_1 = arith.constant 0 : i32
    return %c0_i32, %c0_i32_0 : i32, i32
  }
  func.func @transform_8(%arg0: i32) -> (i32, i32) {
    %c0_i32 = arith.constant 0 : i32
    %c0_i32_0 = arith.constant 0 : i32
    %c0_i32_1 = arith.constant 0 : i32
    return %c0_i32, %c0_i32_0 : i32, i32
  }
  func.func @transform_9(%arg0: i32) -> (i32, i32) {
    %c0_i32 = arith.constant 0 : i32
    %c0_i32_0 = arith.constant 0 : i32
    %c0_i32_1 = arith.constant 0 : i32
    return %c0_i32, %c0_i32_0 : i32, i32
  }
}

</mosaic_0001>

<sc_bundles>
// kernel: kernel.11.cloned.1.call-start
scs
__scs_entry_jumppad:
0x0: {  	(pc) =	sbr.rel $0x88, $3  }
0x1: {  	(tag) =	ssettag $0x0;
	lr =	simm.s32 $0x1  }
0x2: {  	[smem:$0x3F9B] =	sst lr;
	_ =	strace $0xD0000000  }
0x3: {  	_ = 	snop  }
0x4: {  	_ = 	snop  }
0x5: {  	_ = 	snop  }
0x6: {  	_ = 	snop  }
0x7: {  	_ = 	snop  }
__scs_overlays_trampoline_lowered:
0x8: {  	[smem:$0x3FAA] =	sst s0  }
0x9: {  	[smem:$0x3FAB] =	sst s1  }
0xa: {  	[smem:$0x3FAC] =	sst s2  }
0xb: {  	[smem:$0x3FAD] =	sst s3  }
0xc: {  	[smem:$0x3FAE] =	sst s4  }
0xd: {  	[smem:$0x3FAF] =	sst s5  }
0xe: {  	[smem:$0x3FB0] =	sst s6  }
0xf: {  	[smem:$0x3FB1] =	sst s7  }
0x10: {  	[smem:$0x3FB2] =	sst s8  }
0x11: {  	[smem:$0x3FB3] =	sst s9;
	s0 =	simm.s32 @!p0 $0x0  }
0x12: {  	s1 =	sld [smem:$0x3F99];
	s0 =	simm.s32 @p0 $0x1  }
0x13: {  	[smem:$0x3FB4] =	sst s0;
	s0 =	simm.s32 @!p1 $0x0  }
0x14: {  	s2 =	sld [smem:$0x3F98];
	s0 =	simm.s32 @p1 $0x1  }
0x15: {  	[smem:$0x3FB5] =	sst s0;
	s0 =	simm.s32 @!p2 $0x0  }
0x16: {  	s3 =	sld [smem:$0x3FDB];
	s0 =	simm.s32 @p2 $0x1  }
0x17: {  	s4 =	simm.s32 $0x1BF5;
	[smem:$0x3FB7] =	sst s0  }
0x18: {  	s0 =	sld [smem:$0x3F9A];
	_ =	swait.ge [sflag:s4], $0x0  }
0x19: {  	s7 =	sld [smem:$0x3F9B]  }
0x1a: {  	s8 =	sadd.s32 $0xFFFFE003, lr  }
0x1b: {  	s9 =	sadd.s32 $0xFFFFFEF7, lr;
	s5 =	simm.s32 $0xFFFFFFFF;
	p2 =	slt.u32 s8, $0xFFFFF086  }
0x1c: {  	p1 =	slt.u32 s9, $0xF7A;
	s5 =	simm.s32 @!p2 $0x0  }
0x1d: {  	s5 =	simm.s32 @p1 $0x1;
	p0 =	seq.s32 s7, s2  }
0x1e: {  	s7 =	smul.u32 @!p0 $0xF7A, s2;
	p2 =	seq.s32 @!p0 s5, $0x0  }
0x1f: {  	s9 =	smul.u32 $0xF7A, s1;
	s8 =	simm.s32 @!p0 $0x1BF5;
	p2 =	por !p2, p0  }
0x20: {  	[sflag:s8] =	ssyncset.s32 @!p0 $0xFFFFF086;
	s6 =	sadd.s32 @!p0 s3, s7;
	s7 =	simm.s32 @!p0 $0x108  }
0x21: {  	s3 =	sadd.s32 s3, s9;
	s6 =	sadd.s32 @!p0 $0x88, s6;
	s7 =	simm.s32 @p2 $0x1082  }
0x22: {  	[simem:s7], [sflag:s8] =	dma.local @!p0 [hbm:s6], $0xF7A  }
0x23: {  	s9 =	sor.u32 $0xD0000000, s2;
	s6 =	simm.s32 $0x108;
	_ =	swait.ge @!p0 [sflag:s8], $0x0  }
0x24: {  	s3 =	sadd.s32 $0x88, s3;
	s6 =	simm.s32 @!p1 $0x1082;
	[sflag:s4] =	ssyncset.s32 $0xFFFFF086  }
0x25: {  	[simem:s6], [sflag:s4] =	dma.local [hbm:s3], $0xF7A  }
0x26: {  	[smem:$0x3F9B] =	sst s1;
	(tag) =	ssettag s2;
	_ =	strace s9  }
0x27: {  	s1 =	sld [smem:$0x3FAB]  }
0x28: {  	s2 =	sld [smem:$0x3FAC]  }
0x29: {  	s4 =	sld [smem:$0x3FAE]  }
0x2a: {  	p0 =	seq.s32 s5, $0x0;
	s5 =	sld [smem:$0x3FAF]  }
0x2b: {  	s6 =	sld [smem:$0x3FB0]  }
0x2c: {  	s7 =	sld [smem:$0x3FB1]  }
0x2d: {  	s3 =	simm.s32 $0x108;
	s8 =	sld [smem:$0x3FB2]  }
0x2e: {  	s3 =	simm.s32 @!p0 $0x1082;
	s9 =	sld [smem:$0x3FB3]  }
0x2f: {  	lr =	sadd.s32 s0, s3;
	s0 =	sld [smem:$0x3FAA]  }
0x30: {  	s3 =	sld [smem:$0x3FAD]  }
0x31: {  	[smem:$0x3FB6] =	sst s10  }
0x32: {  	s10 =	sld [smem:$0x3FB4];
	_ =	sdelay $0x3  }
0x33: {  	p0 =	seq.s32 s10, $0x1;
	s10 =	sld [smem:$0x3FB6];
	_ =	sdelay $0x3  }
0x34: {  	[smem:$0x3FB6] =	sst s10  }
0x35: {  	s10 =	sld [smem:$0x3FB5];
	_ =	sdelay $0x3  }
0x36: {  	p1 =	seq.s32 s10, $0x1;
	s10 =	sld [smem:$0x3FB6];
	_ =	sdelay $0x3  }
0x37: {  	[smem:$0x3FB6] =	sst s10  }
0x38: {  	s10 =	sld [smem:$0x3FB7]  }
0x39: {  	_ = 	snop;
	(pc) =	sbr.ind lr, $3  }
0x3a: {  	_ = 	snop  }
0x3b: {  	_ = 	snop  }
0x3c: {  	p2 =	seq.s32 s10, $0x1;
	s10 =	sld [smem:$0x3FB6]  }
0x3d: {  	_ =	shalt  }
0x3e: {  	_ =	shalt  }
0x3f: {  	_ =	shalt  }
0x40: {  	_ =	shalt  }
0x41: {  	_ =	shalt  }
0x42: {  	_ =	shalt  }
0x43: {  	_ =	shalt  }
0x44: {  	_ =	shalt  }
0x45: {  	_ =	shalt  }
0x46: {  	_ =	shalt  }
0x47: {  	_ =	shalt  }
0x48: {  	_ =	shalt  }
0x49: {  	_ =	shalt  }
0x4a: {  	_ =	shalt  }
0x4b: {  	_ =	shalt  }
0x4c: {  	_ =	shalt  }
0x4d: {  	_ =	shalt  }
0x4e: {  	_ =	shalt  }
0x4f: {  	_ =	shalt  }
0x50: {  	_ =	shalt  }
0x51: {  	_ =	shalt  }
0x52: {  	_ =	shalt  }
0x53: {  	_ =	shalt  }
0x54: {  	_ =	shalt  }
0x55: {  	_ =	shalt  }
0x56: {  	_ =	shalt  }
0x57: {  	_ =	shalt  }
0x58: {  	_ =	shalt  }
0x59: {  	_ =	shalt  }
0x5a: {  	_ =	shalt  }
0x5b: {  	_ =	shalt  }
0x5c: {  	_ =	shalt  }
0x5d: {  	_ =	shalt  }
0x5e: {  	_ =	shalt  }
0x5f: {  	_ =	shalt  }
0x60: {  	_ =	shalt  }
0x61: {  	_ =	shalt  }
0x62: {  	_ =	shalt  }
0x63: {  	_ =	shalt  }
0x64: {  	_ =	shalt  }
0x65: {  	_ =	shalt  }
0x66: {  	_ =	shalt  }
0x67: {  	_ =	shalt  }
0x68: {  	_ =	shalt  }
0x69: {  	_ =	shalt  }
0x6a: {  	_ =	shalt  }
0x6b: {  	_ =	shalt  }
0x6c: {  	_ =	shalt  }
0x6d: {  	_ =	shalt  }
0x6e: {  	_ =	shalt  }
0x6f: {  	_ =	shalt  }
0x70: {  	_ =	shalt  }
0x71: {  	_ =	shalt  }
0x72: {  	_ =	shalt  }
0x73: {  	_ =	shalt  }
0x74: {  	_ =	shalt  }
0x75: {  	_ =	shalt  }
0x76: {  	_ =	shalt  }
0x77: {  	_ =	shalt  }
0x78: {  	_ =	shalt  }
0x79: {  	_ =	shalt  }
0x7a: {  	_ =	shalt  }
0x7b: {  	_ =	shalt  }
0x7c: {  	_ =	shalt  }
0x7d: {  	_ =	shalt  }
0x7e: {  	_ =	shalt  }
0x7f: {  	_ =	shalt  }
0x80: {  	_ =	shalt  }
0x81: {  	_ =	shalt  }
0x82: {  	_ =	shalt  }
0x83: {  	_ =	shalt  }
0x84: {  	_ =	shalt  }
0x85: {  	_ =	shalt  }
0x86: {  	_ =	shalt  }
0x87: {  	_ =	shalt  }
.Lfunc_end0:
.L_simem_size_0:
called_computation.1_lowered:
.L_overlay_start_0:
0x88: {  	s2 =	sld [smem:$0x3FD9]  }
0x89: {  	s3 =	sld [smem:$0x3FFE];
	_ =	sdelay $0x1  }
0x8a: {  	s1 =	srdreg.scid  }
0x8b: {  	s0 =	sand.u32 $0x1, s1  }
0x8c: {  	s17 =	sshll.u32 s0, $0xA;
	s2 =	sadd.s32 s3, s2  }
0x8d: {  	s2 =	sadd.s32 s2, s17  }
0x8e: {  	[smem:$0x3FC2] =	sst s2  }
0x8f: {  	_ = 	snop  }
0x90: {  	s2 =	sld [smem:$0x3FD0];
	(tm) =	ssettm $0x1  }
0x91: {  	s18 =	sld [smem:$0x3FFB];
	_ =	sdelay $0x3  }
0x92: {  	_ =	strace s18  }
0x93: {  	s3 =	sld [smem:$0x3FFC];
	_ =	sdelay $0x3  }
0x94: {  	_ =	strace s3  }
0x95: {  	s3 =	sld [smem:$0x3FFD];
	_ =	sdelay $0x3  }
0x96: {  	_ =	strace s3  }
0x97: {  	_ =	strace $0x8FFFFFFF  }
0x98: {  	s19 =	sld [smem:$0x3FDB];
	_ =	sdelay $0x1  }
0x99: {  	s4 =	simm.s32 $_scs_section_size  }
0x9a: {  	s5 =	simm.s32 $_size__tile_overlayer_lowered;
	s6 =	simm.s32 $_tile_overlayer_lowered  }
0x9b: {  	s22 =	simm.s32 $0x1BFF;
	s21 =	sshll.u32 s6, $0x1;
	s3 =	sadd.s32 s4, s19  }
0x9c: {  	s7 =	simm.s32 $0x0;
	s20 =	sshll.u32 s5, $0x1;
	s5 =	sadd.s32 s21, s3  }
0x9d: {  	[timem:s7], [sflag:s22] =	dma.local [hbm:s5], s20  }
0x9e: {  	_ =	swait.ge [sflag:s22], s20  }
0x9f: {  	s4 =	ssub.s32 $0x0, s20;
	[sflag:s22] =	ssyncset.done $0x0  }
0xa0: {  	[sflag:s22] =	ssyncadd.s32 s4;
	_ =	sdelay $0x1  }
0xa1: {  	s23 =	simm.s32 $0x1B8B  }
0xa2: {  	_ =	swait.ge [sflag:s23], $0x1  }
0xa3: {  	[sflag:s23] =	ssyncset.done $0x0  }
0xa4: {  	s25 =	simm.s32 $0x1B8E;
	s24 =	sld [smem:$0x3FFE];
	[sflag:s23] =	ssyncadd.s32 $0xFFFFFFFF  }
0xa5: {  	s26 =	simm.s32 $execute0_lowered;
	[smem:$0x3FD2] =	sst s25  }
0xa6: {  	s5 =	sshll.u32 s26, $0x1;
	_ =	strace $0x80000049;
	[dreg:$0x1] =	wrdreg $0xFFFFFFFF  }
0xa7: {  	s28 =	simm.s32 $_size_execute0_lowered;
	s3 =	sadd.s32 s3, s5;
	[dreg:$0x0] =	wrdreg $0x0  }
0xa8: {  	s5 =	sshll.u32 s28, $0x1;
	[dreg:$0x2] =	wrdreg s3  }
0xa9: {  	[dreg:$0x3] =	wrdreg s5  }
0xaa: {  	[dreg:$0x4] =	wrdreg $0xC0  }
0xab: {  	_ =	task [dreg:s7], $0x5FFFF  }
0xac: {  	[dreg:$0x1] =	wrdreg $0xFFFFFFFF  }
0xad: {  	[dreg:$0x0] =	wrdreg $0x60  }
0xae: {  	[dreg:$0x2] =	wrdreg s24  }
0xaf: {  	[dreg:$0x3] =	wrdreg s2  }
0xb0: {  	[dreg:$0x4] =	wrdreg $0xA1800  }
0xb1: {  	[dreg:$0x5] =	wrdreg $0x9  }
0xb2: {  	_ =	task.clear_ibuf [dreg:s7], $0x6FFFF;
	_ =	strace $0x90000049  }
0xb3: {  	s29 =	simm.s32 $0x9;
	_ =	strace $0x8000004B  }
0xb4: {  	_ =	swait.ge [sflag:s29], $0x1  }
0xb5: {  	[sflag:s29] =	ssyncadd.s32 $0xFFFFFFFF  }
0xb6: {  	_ =	strace $0x9000004B  }
0xb7: {  	_ =	sfence  }
0xb8: {  	s30 =	sld [smem:$0x0];
	_ =	sdelay $0x2  }
0xb9: {  	s31 =	sshll.u32 s1, $0xD;
	s1 =	sshrl.u32 s1, $0x2  }
0xba: {  	s3 =	sand.u32 $0x4000, s31;
	s1 =	sadd.s32 s1, s30  }
0xbb: {  	s0 =	sor.u32 s3, s0;
	s1 =	sshll.u32 s1, $0x11  }
0xbc: {  	s0 =	sor.u32 s1, s0  }
0xbd: {  	s0 =	sadd.s32 $0x8F2B, s0  }
0xbe: {  	[sflag:s0] =	ssyncadd.remote.s32 $0x1  }
0xbf: {  	_ =	sfence.sel $0xFFFF  }
0xc0: {  	[dreg:$0x0] =	wrdreg $0xFFFFFFFF;
	(pc) =	sbr.abs _section_cstart, $3  }
0xc1: {  	[dreg:$0x1] =	wrdreg $0xFFFFFFFF  }
0xc2: {  	_ =	task.clear_ibuf [dreg:s7], $0x2FFFF;
	_ =	strace $0x9FFFFFFF  }
0xc3: {  	(tm) =	ssettm $0x7FFFFFFF  }
tec
execute0_lowered:
.L_overlay_start_1:
0x0: {  	(tag) =	ssettag $0x1  }
0x1: {  	s7 =	rddreg [dreg:$0x0]  }
0x2: {  	s1 =	rddreg [dreg:$0x1];
	s0 =	srdreg.scid  }
0x3: {  	s3 =	rddreg [dreg:$0x2];
	s2 =	stileid.u32  }
0x4: {  	s4 =	simm.s32 $0x0;
	s14 =	simm.s32 $0x5000;
	s15 =	simm.s32 $0x7800  }
0x5: {  	s18 =	simm.s32 $0xA000;
	s19 =	simm.s32 $0xA080;
	s20 =	simm.s32 $0xA100  }
0x6: {  	s21 =	simm.s32 $0x50;
	s6 =	sand.u32 $0x1, s0;
	s0 =	rddreg [dreg:$0x3]  }
0x7: {  	s22 =	simm.s32 $0x0;
	[smem:$0x7FF] =	sst s4;
	s10 =	sshll.u32 s2, $0xA  }
0x8: {  	v0 =	vimm.s32 $0xFFEDCBA9;
	v1 =	vimm.s32 $0x87654321;
	s13 =	sshll.u32 s2, $0x7;
	p0 =	sgt.u32 s2, $0x9;
	s5 =	sshll.u32 s6, $0x4  }
0x9: {  	v0 =	vunpack.c.l.s4.s8 v0;
	v1 =	vunpack.c.l.s4.s8 v1;
	s8 =	smul.u32 $0x2800, s6;
	_ =	strace $0x8000004A;
	s11 =	ssub.s32 $0x2, s6  }
0xa: {  	v2 =	vimm.s32 $0xEDCBA987;
	v3 =	vimm.s32 $0x65432100;
	s6 =	sadd.s32 $0xC000, s7;
	s17 =	sadd.s32 s10, s3;
	s16 =	sshll.u32 @!p0 s2, $0x6  }
0xb: {  	v2 =	vunpack.c.l.s4.s8 v2;
	s5 =	sor.u32 s2, s5;
	s31 =	sshrl.u32 s11, $0x1;
	v0 =	vunpack.c.0.s8.s32 v0;
	v1 =	vunpack.c.0.s8.s32 v1;
	s16 =	sor.u32 @!p0 $0x1C01, s16  }
0xc: {  	v3 =	vunpack.c.l.s4.s8 v3;
	s17 =	sshrl.u32 @!p0 s17, $0x3;
	s9 =	smul.u32 $0x500, s5;
	s8 =	sadd.s32 s10, s8  }
0xd: {  	s5 =	sadd.s32 $0x34000, s7;
	s11 =	ssub.s32 s11, s31;
	s8 =	sshrl.u32 s8, $0x3;
	v0 =	vcombine.low v1, v0;
	v1 =	vunpack.c.0.s8.s32 v2  }
0xe: {  	s11 =	smax.u32 s11, $0x1;
	v2 =	vunpack.c.0.s8.s32 v3;
	s9 =	sadd.s32 s9, s7;
	s12 =	sadd.s32 s8, s7  }
0xf: {  	vm0 =	vcmask $0x3F3C;
	s7 =	sadd.s32 $0x34A00, s9;
	s8 =	sadd.s32 $0x2000, s9;
	s9 =	sadd.s32 s6, s13;
	v1 =	vand.u32 $0xF, v1  }
0x10: {  	s10 =	sadd.s32 $0x65C00, s12;
	s12 =	simm.s32 $0x1;
	s13 =	simm.s32 $0x2800;
	v0 =	vand.u32 $0xF, v0;
	v1 =	vcombine.low v2, v1;
	v2 =	vlaneseq.u32  }
.LBB2_1:
0x11: {  	[tilespmem:s4], [sflag:$0x1] =	stream.linear.gather [hbm4b:s7+s4], $0x2800, $0x38;
	[tilespmem:$0xA400] =	vst v63  }
0x12: {  	_ =	swait.ge [sflag:s12], $0x2800  }
0x13: {  	[sflag:s12] =	ssyncset.done $0x0  }
0x14: {  	[sflag:s12] =	ssyncadd.s32 $0xFFFFD800  }
0x15: {  	[tilespmem:s13], [sflag:$0x1] =	stream.linear.gather [hbm4b:s8+s4], $0x2800, $0x38;
	[tilespmem:$0xA400] =	vst v63  }
0x16: {  	_ =	swait.ge [sflag:s12], $0x2800  }
0x17: {  	[sflag:s12] =	ssyncset.done $0x0  }
0x18: {  	[sflag:s12] =	ssyncadd.s32 $0xFFFFD800  }
0x19: {  	[tilespmem:s14], [sflag:$0x1] =	stream.linear.gather [hbm4b:s5+s4], $0x2800, $0x38;
	[tilespmem:$0xA400] =	vst v63  }
0x1a: {  	_ =	swait.ge [sflag:s12], $0x2800  }
0x1b: {  	[sflag:s12] =	ssyncset.done $0x0  }
0x1c: {  	[sflag:s12] =	ssyncadd.s32 $0xFFFFD800  }
0x1d: {  	[tilespmem:s15], [sflag:$0x1] =	stream.linear.gather [hbm4b:s6+s4], $0x2800, $0x38;
	[tilespmem:$0xA400] =	vst v63  }
0x1e: {  	_ =	swait.ge [sflag:s12], $0x2800  }
0x1f: {  	[sflag:s12] =	ssyncset.done $0x0  }
0x20: {  	s23 =	simm.s32 @!p0 $0x1;
	[sflag:s12] =	ssyncadd.s32 $0xFFFFD800  }
0x21: {  	[spmem:s17], [sflag:s16] =	dma.local @!p0 [hbm:s9], $0x80  }
0x22: {  	_ =	swait.ge @!p0 [sflag:s23], $0x80  }
0x23: {  	[sflag:s23] =	ssyncset.done @!p0 $0x0  }
0x24: {  	[sflag:s23] =	ssyncadd.s32 @!p0 $0xFFFFFF80  }
0x25: {  	[tilespmem:s18], [sflag:$0x1] =	stream.linear.gather [hbm4b:s1+s4], $0x80, $0x38;
	[tilespmem:$0xA400] =	vst v63  }
0x26: {  	_ =	swait.ge [sflag:s12], $0x80  }
0x27: {  	[sflag:s12] =	ssyncset.done $0x0  }
0x28: {  	[sflag:s12] =	ssyncadd.s32 $0xFFFFFF80  }
0x29: {  	s24 =	simm.s32 $0x0;
	s23 =	simm.s32 $0x40;
	[bflag:$0x0] =	sbarrier.arrive $0xFFFF  }
.LBB2_2:
0x2a: {  	p1 =	sne.s32 s23, $0x9FC0;
	v3 =	vld [tilespmem:s24+$0x2800];
	_ =	sdelay $0x6  }
0x2b: {  	v4 =	vld [tilespmem:s24+$0x0]  }
0x2c: {  	v3 =	vld.idx.msk [tilespmem:v3+s14+$0x0], $0xffff;
	_ =	sdelay $0x4  }
0x2d: {  	v4 =	vxor.u32 $0x80000000, v4  }
0x2e: {  	(xrf1) =	vsort.ascd.msk.u32 $0xffff, v4, v3;
	_ =	sdelay $0xd  }
0x2f: {  	v3, v4, _ =	vpop (xrf1)  }
0x30: {  	(xrf2) =	vadd.scan.msk.f32 $0xffff, v4  }
0x31: {  	v3 =	vxor.u32 $0x80000000, v3  }
0x32: {  	[tilespmem:$0xA080] =	vst v3  }
0x33: {  	v4 =	vld.idx.msk [tilespmem:v0+s19+$0x0], $0xffff;
	_ =	sdelay $0x5  }
0x34: {  	vm1 =	vne.s32 v3, v4  }
0x35: {  	vm2 =	vmor vm1, vm0;
	v4, _, _ =	vpop (xrf2)  }
0x36: {  	v5 =	vnsel vm2, $0x0, v4  }
0x37: {  	(xrf0) =	vmax.scan.msk.f32 $0xffff, v5;
	_ =	sdelay $0x5  }
0x38: {  	v5, _, _ =	vpop (xrf0)  }
0x39: {  	[tilespmem:$0xA100] =	vst v5  }
0x3a: {  	v5 =	vld.idx.msk [tilespmem:v1+s20+$0x0], $0xffff;
	_ =	sdelay $0x4  }
.Ltmp0:
0x3b: {  	vm1 =	veq.s32 v2, $0x0;
	(pc) =	sbr.rel @p1 .LBB2_2-.Ltmp0, $3  }
0x3c: {  	v5 =	vsel vm1, $0x0, v5  }
0x3d: {  	v4 =	vsub.f32 v4, v5;
	_ =	sdelay $0x1  }
0x3e: {  	s24 =	sshra.s32 s23, $0x2;
	s23 =	sadd.s32 $0x40, s23;
	[tilespmem:v3+s15+$0x0] =	vst.idx.add.f32.msk vm2, v4  }
0x3f: {  	v3 =	vld [tilespmem:s24+$0x2800];
	_ =	sdelay $0x6  }
0x40: {  	v4 =	vld [tilespmem:s24+$0x0]  }
0x41: {  	v3 =	vld.idx.msk [tilespmem:v3+s14+$0x0], $0xffff;
	_ =	sdelay $0x3  }
0x42: {  	v4 =	vxor.u32 $0x80000000, v4  }
0x43: {  	(xrf1) =	vsort.ascd.msk.u32 $0xffff, v4, v3;
	_ =	sdelay $0xd  }
0x44: {  	v3, v4, _ =	vpop (xrf1)  }
0x45: {  	(xrf2) =	vadd.scan.msk.f32 $0xffff, v4;
	_ =	sdelay $0x1  }
0x46: {  	v3 =	vxor.u32 $0x80000000, v3  }
0x47: {  	[tilespmem:$0xA080] =	vst v3  }
0x48: {  	v62 =	vld.idx.msk [tilespmem:v0+s19+$0x0], $0xffff;
	_ =	sdelay $0x4  }
0x49: {  	vm2 =	vne.s32 v3, v62  }
0x4a: {  	vm2 =	vmor vm2, vm0;
	v63, _, _ =	vpop (xrf2)  }
0x4b: {  	v5 =	vnsel vm2, $0x0, v63  }
0x4c: {  	(xrf0) =	vmax.scan.msk.f32 $0xffff, v5;
	_ =	sdelay $0x5  }
0x4d: {  	v5, _, _ =	vpop (xrf0)  }
0x4e: {  	[tilespmem:$0xA100] =	vst v5  }
0x4f: {  	v5 =	vld.idx.msk [tilespmem:v1+s20+$0x0], $0xffff;
	_ =	sdelay $0x4  }
0x50: {  	v5 =	vsel vm1, $0x0, v5  }
0x51: {  	v4 =	vsub.f32 v63, v5;
	_ =	sdelay $0x1  }
0x52: {  	[tilespmem:v3+s15+$0x0] =	vst.idx.add.f32.msk vm2, v4  }
0x53: {  	[spmem:s3] =	stream.indirect.scatter.add.f32 [tilespmem:s15], [sflag:$0x1], $0x80, s18, s21, $0xb8;
	[tilespmem:$0xA400] =	vst v63  }
0x54: {  	_ =	swait.ge [sflag:s12], $0x2800  }
0x55: {  	s22 =	sadd.s32 $0x1, s22;
	[sflag:s12] =	ssyncset.done $0x0  }
0x56: {  	p1 =	sne.s32 s22, s11;
	[sflag:s12] =	ssyncadd.s32 $0xFFFFD800  }
.Ltmp1:
0x57: {  	s23 =	simm.s32 @!p0 $0x1;
	[bflag:$0x0] =	sbarrier.arrive $0xFFFF;
	(pc) =	sbr.rel @p1 .LBB2_1-.Ltmp1, $4  }
0x58: {  	[hbm:s10], [sflag:s16] =	dma.local @!p0 [spmem:s17], $0x80  }
0x59: {  	_ =	swait.ge @!p0 [sflag:s23], $0x80  }
0x5a: {  	[sflag:s23] =	ssyncset.done @!p0 $0x0  }
0x5b: {  	[sflag:s23] =	ssyncadd.s32 @!p0 $0xFFFFFF80  }
0x5c: {  	_ =	sfence.sel $0x180000  }
0x5d: {  	[bflag:$0x0] =	sbarrier.arrive $0xFFFF  }
0x5e: {  	p0 =	sne.s32 s2, $0x0;
	_ =	strace $0x9000004A  }
0x5f: {  	s0 =	sadd.s32 @!p0 $0x100000, s0;
	[bflag:$0x2] =	sbarrier.arrive $0xFFFF  }
0x60: {  	[sflag:s0] =	ssyncadd.tile.s32 @!p0 $0x1;
	_ =	shalt  }
.Lfunc_end2:
_tile_overlayer_lowered:
.L_overlay_start_2:
0x61: {  	(tag) =	ssettag $0x2  }
0x62: {  	s0 =	rddreg [dreg:$0x0];
	s2 =	stileid.u32  }
0x63: {  	s1 =	rddreg [dreg:$0x1];
	p0 =	sne.s32 s2, $0x0  }
0x64: {  	s3 =	rddreg [dreg:$0x2];
	[bflag:$0x3] =	sbarrier.arrive $0xFFFF;
	s2 =	simm.s32 @!p0 $0x1C01  }
0x65: {  	[timem:s3], [sflag:s2] =	dma.local @!p0 [hbm:s0], s1  }
0x66: {  	s0 =	simm.s32 @!p0 $0x1  }
0x67: {  	_ =	swait.ge @!p0 [sflag:s0], s1  }
0x68: {  	s1 =	ssub.s32 @!p0 $0x0, s1;
	[sflag:s0] =	ssyncset.done @!p0 $0x0  }
0x69: {  	[sflag:s0] =	ssyncadd.s32 @!p0 s1  }
0x6a: {  	[bflag:$0x3] =	sbarrier.arrive $0xFFFF  }
0x6b: {  	_ =	shalt  }

// kernel: kernel.14.cloned.1.call-start
scs
__scs_entry_jumppad:
0x0: {  	(pc) =	sbr.rel $0x88, $3  }
0x1: {  	(tag) =	ssettag $0x0;
	lr =	simm.s32 $0x1  }
0x2: {  	[smem:$0x3F9B] =	sst lr;
	_ =	strace $0xD0000000  }
0x3: {  	_ = 	snop  }
0x4: {  	_ = 	snop  }
0x5: {  	_ = 	snop  }
0x6: {  	_ = 	snop  }
0x7: {  	_ = 	snop  }
__scs_overlays_trampoline_lowered:
0x8: {  	[smem:$0x3FAA] =	sst s0  }
0x9: {  	[smem:$0x3FAB] =	sst s1  }
0xa: {  	[smem:$0x3FAC] =	sst s2  }
0xb: {  	[smem:$0x3FAD] =	sst s3  }
0xc: {  	[smem:$0x3FAE] =	sst s4  }
0xd: {  	[smem:$0x3FAF] =	sst s5  }
0xe: {  	[smem:$0x3FB0] =	sst s6  }
0xf: {  	[smem:$0x3FB1] =	sst s7  }
0x10: {  	[smem:$0x3FB2] =	sst s8  }
0x11: {  	[smem:$0x3FB3] =	sst s9;
	s0 =	simm.s32 @!p0 $0x0  }
0x12: {  	s1 =	sld [smem:$0x3F99];
	s0 =	simm.s32 @p0 $0x1  }
0x13: {  	[smem:$0x3FB4] =	sst s0;
	s0 =	simm.s32 @!p1 $0x0  }
0x14: {  	s2 =	sld [smem:$0x3F98];
	s0 =	simm.s32 @p1 $0x1  }
0x15: {  	[smem:$0x3FB5] =	sst s0;
	s0 =	simm.s32 @!p2 $0x0  }
0x16: {  	s3 =	sld [smem:$0x3FDB];
	s0 =	simm.s32 @p2 $0x1  }
0x17: {  	s4 =	simm.s32 $0x1BF5;
	[smem:$0x3FB7] =	sst s0  }
0x18: {  	s0 =	sld [smem:$0x3F9A];
	_ =	swait.ge [sflag:s4], $0x0  }
0x19: {  	s7 =	sld [smem:$0x3F9B]  }
0x1a: {  	s8 =	sadd.s32 $0xFFFFE003, lr  }
0x1b: {  	s9 =	sadd.s32 $0xFFFFFEF7, lr;
	s5 =	simm.s32 $0xFFFFFFFF;
	p2 =	slt.u32 s8, $0xFFFFF086  }
0x1c: {  	p1 =	slt.u32 s9, $0xF7A;
	s5 =	simm.s32 @!p2 $0x0  }
0x1d: {  	s5 =	simm.s32 @p1 $0x1;
	p0 =	seq.s32 s7, s2  }
0x1e: {  	s7 =	smul.u32 @!p0 $0xF7A, s2;
	p2 =	seq.s32 @!p0 s5, $0x0  }
0x1f: {  	s9 =	smul.u32 $0xF7A, s1;
	s8 =	simm.s32 @!p0 $0x1BF5;
	p2 =	por !p2, p0  }
0x20: {  	[sflag:s8] =	ssyncset.s32 @!p0 $0xFFFFF086;
	s6 =	sadd.s32 @!p0 s3, s7;
	s7 =	simm.s32 @!p0 $0x108  }
0x21: {  	s3 =	sadd.s32 s3, s9;
	s6 =	sadd.s32 @!p0 $0x88, s6;
	s7 =	simm.s32 @p2 $0x1082  }
0x22: {  	[simem:s7], [sflag:s8] =	dma.local @!p0 [hbm:s6], $0xF7A  }
0x23: {  	s9 =	sor.u32 $0xD0000000, s2;
	s6 =	simm.s32 $0x108;
	_ =	swait.ge @!p0 [sflag:s8], $0x0  }
0x24: {  	s3 =	sadd.s32 $0x88, s3;
	s6 =	simm.s32 @!p1 $0x1082;
	[sflag:s4] =	ssyncset.s32 $0xFFFFF086  }
0x25: {  	[simem:s6], [sflag:s4] =	dma.local [hbm:s3], $0xF7A  }
0x26: {  	[smem:$0x3F9B] =	sst s1;
	(tag) =	ssettag s2;
	_ =	strace s9  }
0x27: {  	s1 =	sld [smem:$0x3FAB]  }
0x28: {  	s2 =	sld [smem:$0x3FAC]  }
0x29: {  	s4 =	sld [smem:$0x3FAE]  }
0x2a: {  	p0 =	seq.s32 s5, $0x0;
	s5 =	sld [smem:$0x3FAF]  }
0x2b: {  	s6 =	sld [smem:$0x3FB0]  }
0x2c: {  	s7 =	sld [smem:$0x3FB1]  }
0x2d: {  	s3 =	simm.s32 $0x108;
	s8 =	sld [smem:$0x3FB2]  }
0x2e: {  	s3 =	simm.s32 @!p0 $0x1082;
	s9 =	sld [smem:$0x3FB3]  }
0x2f: {  	lr =	sadd.s32 s0, s3;
	s0 =	sld [smem:$0x3FAA]  }
0x30: {  	s3 =	sld [smem:$0x3FAD]  }
0x31: {  	[smem:$0x3FB6] =	sst s10  }
0x32: {  	s10 =	sld [smem:$0x3FB4];
	_ =	sdelay $0x3  }
0x33: {  	p0 =	seq.s32 s10, $0x1;
	s10 =	sld [smem:$0x3FB6];
	_ =	sdelay $0x3  }
0x34: {  	[smem:$0x3FB6] =	sst s10  }
0x35: {  	s10 =	sld [smem:$0x3FB5];
	_ =	sdelay $0x3  }
0x36: {  	p1 =	seq.s32 s10, $0x1;
	s10 =	sld [smem:$0x3FB6];
	_ =	sdelay $0x3  }
0x37: {  	[smem:$0x3FB6] =	sst s10  }
0x38: {  	s10 =	sld [smem:$0x3FB7]  }
0x39: {  	_ = 	snop;
	(pc) =	sbr.ind lr, $3  }
0x3a: {  	_ = 	snop  }
0x3b: {  	_ = 	snop  }
0x3c: {  	p2 =	seq.s32 s10, $0x1;
	s10 =	sld [smem:$0x3FB6]  }
0x3d: {  	_ =	shalt  }
0x3e: {  	_ =	shalt  }
0x3f: {  	_ =	shalt  }
0x40: {  	_ =	shalt  }
0x41: {  	_ =	shalt  }
0x42: {  	_ =	shalt  }
0x43: {  	_ =	shalt  }
0x44: {  	_ =	shalt  }
0x45: {  	_ =	shalt  }
0x46: {  	_ =	shalt  }
0x47: {  	_ =	shalt  }
0x48: {  	_ =	shalt  }
0x49: {  	_ =	shalt  }
0x4a: {  	_ =	shalt  }
0x4b: {  	_ =	shalt  }
0x4c: {  	_ =	shalt  }
0x4d: {  	_ =	shalt  }
0x4e: {  	_ =	shalt  }
0x4f: {  	_ =	shalt  }
0x50: {  	_ =	shalt  }
0x51: {  	_ =	shalt  }
0x52: {  	_ =	shalt  }
0x53: {  	_ =	shalt  }
0x54: {  	_ =	shalt  }
0x55: {  	_ =	shalt  }
0x56: {  	_ =	shalt  }
0x57: {  	_ =	shalt  }
0x58: {  	_ =	shalt  }
0x59: {  	_ =	shalt  }
0x5a: {  	_ =	shalt  }
0x5b: {  	_ =	shalt  }
0x5c: {  	_ =	shalt  }
0x5d: {  	_ =	shalt  }
0x5e: {  	_ =	shalt  }
0x5f: {  	_ =	shalt  }
0x60: {  	_ =	shalt  }
0x61: {  	_ =	shalt  }
0x62: {  	_ =	shalt  }
0x63: {  	_ =	shalt  }
0x64: {  	_ =	shalt  }
0x65: {  	_ =	shalt  }
0x66: {  	_ =	shalt  }
0x67: {  	_ =	shalt  }
0x68: {  	_ =	shalt  }
0x69: {  	_ =	shalt  }
0x6a: {  	_ =	shalt  }
0x6b: {  	_ =	shalt  }
0x6c: {  	_ =	shalt  }
0x6d: {  	_ =	shalt  }
0x6e: {  	_ =	shalt  }
0x6f: {  	_ =	shalt  }
0x70: {  	_ =	shalt  }
0x71: {  	_ =	shalt  }
0x72: {  	_ =	shalt  }
0x73: {  	_ =	shalt  }
0x74: {  	_ =	shalt  }
0x75: {  	_ =	shalt  }
0x76: {  	_ =	shalt  }
0x77: {  	_ =	shalt  }
0x78: {  	_ =	shalt  }
0x79: {  	_ =	shalt  }
0x7a: {  	_ =	shalt  }
0x7b: {  	_ =	shalt  }
0x7c: {  	_ =	shalt  }
0x7d: {  	_ =	shalt  }
0x7e: {  	_ =	shalt  }
0x7f: {  	_ =	shalt  }
0x80: {  	_ =	shalt  }
0x81: {  	_ =	shalt  }
0x82: {  	_ =	shalt  }
0x83: {  	_ =	shalt  }
0x84: {  	_ =	shalt  }
0x85: {  	_ =	shalt  }
0x86: {  	_ =	shalt  }
0x87: {  	_ =	shalt  }
.Lfunc_end0:
.L_simem_size_0:
called_computation.2_lowered:
.L_overlay_start_0:
0x88: {  	s2 =	sld [smem:$0x3FD9]  }
0x89: {  	s3 =	sld [smem:$0x3FFE];
	_ =	sdelay $0x1  }
0x8a: {  	s1 =	srdreg.scid  }
0x8b: {  	s0 =	sand.u32 $0x1, s1  }
0x8c: {  	s17 =	sshll.u32 s0, $0xA;
	s2 =	sadd.s32 s3, s2  }
0x8d: {  	s2 =	sadd.s32 s2, s17  }
0x8e: {  	[smem:$0x3FC2] =	sst s2  }
0x8f: {  	_ = 	snop  }
0x90: {  	(tm) =	ssettm $0x1  }
0x91: {  	s18 =	sld [smem:$0x3FFB];
	_ =	sdelay $0x3  }
0x92: {  	_ =	strace s18  }
0x93: {  	s2 =	sld [smem:$0x3FFC];
	_ =	sdelay $0x3  }
0x94: {  	_ =	strace s2  }
0x95: {  	s2 =	sld [smem:$0x3FFD];
	_ =	sdelay $0x3  }
0x96: {  	_ =	strace s2  }
0x97: {  	_ =	strace $0x8FFFFFFF  }
0x98: {  	s19 =	sld [smem:$0x3FDB];
	_ =	sdelay $0x1  }
0x99: {  	s20 =	simm.s32 $_scs_section_size  }
0x9a: {  	s4 =	simm.s32 $_size__tile_overlayer_lowered;
	s5 =	simm.s32 $_tile_overlayer_lowered  }
0x9b: {  	s6 =	simm.s32 $0x1BFF;
	s21 =	sshll.u32 s5, $0x1;
	s3 =	sadd.s32 s20, s19  }
0x9c: {  	s22 =	simm.s32 $0x0;
	s4 =	sshll.u32 s4, $0x1;
	s5 =	sadd.s32 s21, s3  }
0x9d: {  	[timem:s22], [sflag:s6] =	dma.local [hbm:s5], s4  }
0x9e: {  	_ =	swait.ge [sflag:s6], s4  }
0x9f: {  	s4 =	ssub.s32 $0x0, s4;
	[sflag:s6] =	ssyncset.done $0x0  }
0xa0: {  	[sflag:s6] =	ssyncadd.s32 s4;
	_ =	sdelay $0x1  }
0xa1: {  	s23 =	simm.s32 $0x1B8B  }
0xa2: {  	_ =	swait.ge [sflag:s23], $0x1  }
0xa3: {  	[sflag:s23] =	ssyncset.done $0x0  }
0xa4: {  	[sflag:s23] =	ssyncadd.s32 $0xFFFFFFFF  }
0xa5: {  	s4 =	sld [smem:$0x0]  }
0xa6: {  	s5 =	sand.u32 $0xFFFFFFFE, s1  }
0xa7: {  	p0 =	sne.s32 s1, s5  }
0xa8: {  	s5 =	sshll.u32 @p0 s5, $0xE  }
0xa9: {  	s5 =	sadd.s32 @p0 $0x11B8D, s5;
	s6 =	sshll.u32 @p0 s4, $0x11  }
0xaa: {  	s5 =	sor.u32 @p0 s6, s5  }
0xab: {  	[sflag:s5] =	ssyncadd.remote.s32 @p0 $0x1;
	_ =	sdelay $0x1  }
0xac: {  	s5 =	simm.s32 @p0 $0x1B8D  }
0xad: {  	_ =	swait.eq @p0 [sflag:s5], $0x1  }
0xae: {  	[sflag:s5] =	ssyncadd.s32 @p0 $0xFFFFFFFF  }
0xaf: {  	s6 =	sshll.u32 @!p0 s1, $0xE  }
0xb0: {  	s6 =	sor.u32 @!p0 $0x4000, s6;
	s5 =	simm.s32 @!p0 $0x1B8D  }
0xb1: {  	s4 =	sshll.u32 @!p0 s4, $0x11;
	s6 =	sadd.s32 @!p0 $0x11B8D, s6;
	_ =	swait.eq @!p0 [sflag:s5], $0x1  }
0xb2: {  	s4 =	sor.u32 @!p0 s4, s6;
	[sflag:s5] =	ssyncadd.s32 @!p0 $0xFFFFFFFF  }
0xb3: {  	s25 =	simm.s32 $0x1B8E;
	s24 =	sld [smem:$0x3FFE];
	[sflag:s4] =	ssyncadd.remote.s32 @!p0 $0x1  }
0xb4: {  	s26 =	simm.s32 $execute0_lowered;
	[smem:$0x3FD2] =	sst s25  }
0xb5: {  	s5 =	sshll.u32 s26, $0x1;
	_ =	strace $0x8000004C;
	[dreg:$0x1] =	wrdreg $0xFFFFFFFF  }
0xb6: {  	s28 =	simm.s32 $_size_execute0_lowered;
	s3 =	sadd.s32 s3, s5;
	[dreg:$0x0] =	wrdreg $0x0  }
0xb7: {  	s5 =	sshll.u32 s28, $0x1;
	[dreg:$0x2] =	wrdreg s3  }
0xb8: {  	[dreg:$0x3] =	wrdreg s5  }
0xb9: {  	[dreg:$0x4] =	wrdreg $0xC0  }
0xba: {  	_ =	task [dreg:s22], $0x5FFFF  }
0xbb: {  	[dreg:$0x1] =	wrdreg $0xFFFFFFFF  }
0xbc: {  	[dreg:$0x0] =	wrdreg $0x60  }
0xbd: {  	[dreg:$0x2] =	wrdreg s24  }
0xbe: {  	[dreg:$0x3] =	wrdreg $0xA8000  }
0xbf: {  	[dreg:$0x4] =	wrdreg $0xA  }
0xc0: {  	_ =	task.clear_ibuf [dreg:s22], $0x5FFFF;
	_ =	strace $0x9000004C  }
0xc1: {  	s29 =	simm.s32 $0xA;
	_ =	strace $0x8000004E  }
0xc2: {  	_ =	swait.ge [sflag:s29], $0x1  }
0xc3: {  	[sflag:s29] =	ssyncadd.s32 $0xFFFFFFFF  }
0xc4: {  	_ =	strace $0x9000004E  }
0xc5: {  	_ =	sfence  }
0xc6: {  	s30 =	sld [smem:$0x0];
	_ =	sdelay $0x2  }
0xc7: {  	s31 =	sshll.u32 s1, $0xD;
	s1 =	sshrl.u32 s1, $0x2  }
0xc8: {  	s4 =	sand.u32 $0x4000, s31;
	s1 =	sadd.s32 s1, s30  }
0xc9: {  	s0 =	sor.u32 s4, s0;
	s1 =	sshll.u32 s1, $0x11  }
0xca: {  	s0 =	sor.u32 s1, s0  }
0xcb: {  	s0 =	sadd.s32 $0x8F2B, s0  }
0xcc: {  	[sflag:s0] =	ssyncadd.remote.s32 $0x1  }
0xcd: {  	_ =	sfence.sel $0xFFFF  }
0xce: {  	[dreg:$0x0] =	wrdreg $0xFFFFFFFF;
	(pc) =	sbr.abs _section_cstart, $3  }
0xcf: {  	[dreg:$0x1] =	wrdreg $0xFFFFFFFF  }
0xd0: {  	_ =	task.clear_ibuf [dreg:s22], $0x2FFFF;
	_ =	strace $0x9FFFFFFF  }
0xd1: {  	(tm) =	ssettm $0x7FFFFFFF  }
tec
execute0_lowered:
.L_overlay_start_1:
0x0: {  	(tag) =	ssettag $0x1  }
0x1: {  	s5 =	rddreg [dreg:$0x0]  }
0x2: {  	s2 =	rddreg [dreg:$0x1]  }
0x3: {  	s0 =	rddreg [dreg:$0x2]  }
0x4: {  	s3 =	simm.s32 $0x0;
	s1 =	stileid.u32;
	s4 =	srdreg.scid  }
0x5: {  	s16 =	simm.s32 $0x80;
	s17 =	simm.s32 $0x2800;
	s18 =	simm.s32 $0x6800  }
0x6: {  	s19 =	simm.s32 $0x1;
	s20 =	simm.s32 $0x3;
	s21 =	simm.s32 $0x2  }
0x7: {  	s22 =	simm.s32 $0x4;
	s23 =	simm.s32 $0x2780;
	s24 =	simm.s32 $0x0  }
0x8: {  	[smem:$0x7FF] =	sst s3;
	s6 =	smul.u32 $0x14000, s1;
	s7 =	sand.u32 $0x1, s4  }
0x9: {  	s4 =	sadd.s32 $0x3EA00, s5;
	s9 =	sadd.s32 $0x34A00, s5;
	s10 =	sadd.s32 $0x2000, s5  }
0xa: {  	s12 =	smul.u32 $0x50000, s1;
	s30 =	sshll.u32 s1, $0x6;
	_ =	strace $0x8000004D  }
0xb: {  	s8 =	smul.u32 $0x140000, s7;
	s28 =	sshll.u32 s7, $0x4;
	s7 =	ssub.s32 $0x2, s7  }
0xc: {  	s11 =	sshrl.u32 s6, $0x3;
	s13 =	sshrl.u32 s7, $0x1;
	s29 =	sshrl.u32 s12, $0x2  }
0xd: {  	s11 =	sadd.s32 s11, s5;
	s6 =	sadd.s32 s6, s8;
	s8 =	sor.u32 s1, s28  }
0xe: {  	s13 =	ssub.s32 s7, s13;
	s15 =	sadd.s32 s29, s2;
	s6 =	sshrl.u32 s6, $0x3  }
0xf: {  	s8 =	smul.u32 $0x2800, s8;
	s12 =	smax.u32 s13, $0x1;
	s13 =	sshrl.u32 s15, $0x3  }
0x10: {  	s15 =	simm.s32 $0x1400;
	s14 =	sadd.s32 s6, s5;
	s5 =	sadd.s32 $0xC000, s11  }
0x11: {  	s6 =	sor.u32 $0x1C05, s30;
	s8 =	sshrl.u32 s8, $0x3;
	s11 =	sadd.s32 $0x66600, s14  }
0x12: {  	s14 =	simm.s32 $0x5;
	s31 =	sadd.s32 $0x280, s8;
	s7 =	sadd.s32 s9, s8  }
0x13: {  	s8 =	sadd.s32 s10, s8;
	s9 =	sadd.s32 s9, s31;
	s10 =	sadd.s32 s10, s31  }
.LBB2_1:
0x14: {  	[spmem:s13], [sflag:s6] =	dma.local [hbm:s5], $0x2800  }
0x15: {  	_ =	swait.ge [sflag:s14], $0x2800  }
0x16: {  	[sflag:s14] =	ssyncset.done $0x0  }
0x17: {  	[sflag:s14] =	ssyncadd.s32 $0xFFFFD800  }
0x18: {  	[bflag:$0x0] =	sbarrier.arrive $0xFFFF  }
0x19: {  	[tilespmem:s3], [sflag:$0x5] =	stream.linear.gather [hbm4b:s7+s3], $0x1400, $0x38;
	[tilespmem:$0x1E800] =	vst v63  }
0x1a: {  	_ =	swait.ge [sflag:s14], $0x1400  }
0x1b: {  	[sflag:s14] =	ssyncset.done $0x0  }
0x1c: {  	[sflag:s14] =	ssyncadd.s32 $0xFFFFEC00  }
0x1d: {  	[tilespmem:s15], [sflag:$0x5] =	stream.linear.gather [hbm4b:s8+s3], $0x1400, $0x38;
	[tilespmem:$0x1E800] =	vst v63  }
0x1e: {  	_ =	swait.ge [sflag:s14], $0x1400  }
0x1f: {  	[sflag:s14] =	ssyncset.done $0x0  }
0x20: {  	[sflag:s14] =	ssyncadd.s32 $0xFFFFEC00  }
0x21: {  	[tilespmem:s17], [sflag:$0x1] =	stream.indirect.gather [hbm4b:s4+s16], $0x80, s3, s16, $0xb8;
	[tilespmem:$0x1E800] =	vst v63  }
0x22: {  	_ = 	snop  }
0x23: {  	[tilespmem:s18], [sflag:$0x2] =	stream.indirect.gather [hbm4b:s4+s16], $0x80, s16, s16, $0xb8;
	[tilespmem:$0x1E800] =	vst v63  }
0x24: {  	_ =	swait.ge [sflag:s19], $0x4000  }
0x25: {  	[sflag:s19] =	ssyncset.done $0x0  }
0x26: {  	[sflag:s19] =	ssyncadd.s32 $0xFFFFC000  }
0x27: {  	[spmem:s2] =	stream.indirect.scatter.add.f32 [tilespmem:s17], [sflag:$0x3], $0x80, s15, s16, $0xb8;
	[tilespmem:$0x1E800] =	vst v63  }
0x28: {  	_ =	swait.ge [sflag:s20], $0x4000  }
0x29: {  	[sflag:s20] =	ssyncset.done $0x0  }
0x2a: {  	s25 =	simm.s32 $0x100;
	[sflag:s20] =	ssyncadd.s32 $0xFFFFC000  }
0x2b: {  	[tilespmem:s17], [sflag:$0x1] =	stream.indirect.gather [hbm4b:s4+s16], $0x80, s25, s16, $0xb8;
	[tilespmem:$0x1E800] =	vst v63  }
0x2c: {  	_ =	swait.ge [sflag:s21], $0x4000  }
0x2d: {  	[sflag:s21] =	ssyncset.done $0x0  }
0x2e: {  	s30 =	simm.s32 $0x1480;
	[sflag:s21] =	ssyncadd.s32 $0xFFFFC000  }
0x2f: {  	[spmem:s2] =	stream.indirect.scatter.add.f32 [tilespmem:s18], [sflag:$0x4], $0x80, s30, s16, $0xb8;
	[tilespmem:$0x1E800] =	vst v63  }
0x30: {  	_ =	swait.ge [sflag:s22], $0x4000  }
0x31: {  	[sflag:s22] =	ssyncset.done $0x0  }
0x32: {  	s31 =	simm.s32 $0x180;
	[sflag:s22] =	ssyncadd.s32 $0xFFFFC000  }
0x33: {  	[tilespmem:s18], [sflag:$0x2] =	stream.indirect.gather [hbm4b:s4+s16], $0x80, s31, s16, $0xb8;
	[tilespmem:$0x1E800] =	vst v63  }
0x34: {  	_ =	swait.ge [sflag:s19], $0x4000  }
0x35: {  	[sflag:s19] =	ssyncset.done $0x0  }
0x36: {  	s26 =	simm.s32 $0x1500;
	s25 =	simm.s32 $0xFFFFB800;
	[sflag:s19] =	ssyncadd.s32 $0xFFFFC000  }
.LBB2_2:
0x37: {  	[spmem:s2] =	stream.indirect.scatter.add.f32 [tilespmem:s17], [sflag:$0x3], $0x80, s26, s16, $0xb8;
	[tilespmem:$0x1E800] =	vst v63  }
0x38: {  	s26 =	smov.u32 s25  }
0x39: {  	p0 =	sne.s32 s25, $0xFFFFFC00;
	s25 =	sadd.s32 $0x400, s25;
	_ =	swait.ge [sflag:s20], $0x4000  }
0x3a: {  	s26 =	sshra.s32 s26, $0x2;
	[sflag:s20] =	ssyncset.done $0x0  }
0x3b: {  	s28 =	sadd.s32 $0x1400, s26;
	[sflag:s20] =	ssyncadd.s32 $0xFFFFC000  }
0x3c: {  	[tilespmem:s17], [sflag:$0x1] =	stream.indirect.gather [hbm4b:s4+s16], $0x80, s28, s16, $0xb8;
	[tilespmem:$0x1E800] =	vst v63  }
0x3d: {  	_ =	swait.ge [sflag:s21], $0x4000  }
0x3e: {  	[sflag:s21] =	ssyncset.done $0x0  }
0x3f: {  	s28 =	sadd.s32 $0x2780, s26;
	[sflag:s21] =	ssyncadd.s32 $0xFFFFC000  }
0x40: {  	[spmem:s2] =	stream.indirect.scatter.add.f32 [tilespmem:s18], [sflag:$0x4], $0x80, s28, s16, $0xb8;
	[tilespmem:$0x1E800] =	vst v63  }
0x41: {  	_ =	swait.ge [sflag:s22], $0x4000  }
0x42: {  	[sflag:s22] =	ssyncset.done $0x0  }
.Ltmp0:
0x43: {  	s28 =	sadd.s32 $0x1480, s26;
	[sflag:s22] =	ssyncadd.s32 $0xFFFFC000;
	(pc) =	sbr.rel @p0 .LBB2_2-.Ltmp0, $4  }
0x44: {  	[tilespmem:s18], [sflag:$0x2] =	stream.indirect.gather [hbm4b:s4+s16], $0x80, s28, s16, $0xb8;
	[tilespmem:$0x1E800] =	vst v63  }
0x45: {  	_ =	swait.ge [sflag:s19], $0x4000  }
0x46: {  	[sflag:s19] =	ssyncset.done $0x0  }
0x47: {  	s26 =	sadd.s32 $0x2800, s26;
	[sflag:s19] =	ssyncadd.s32 $0xFFFFC000  }
0x48: {  	[spmem:s2] =	stream.indirect.scatter.add.f32 [tilespmem:s17], [sflag:$0x3], $0x80, s26, s16, $0xb8;
	[tilespmem:$0x1E800] =	vst v63  }
0x49: {  	_ =	swait.ge [sflag:s21], $0x4000  }
0x4a: {  	[sflag:s21] =	ssyncset.done $0x0  }
0x4b: {  	[sflag:s21] =	ssyncadd.s32 $0xFFFFC000  }
0x4c: {  	[spmem:s2] =	stream.indirect.scatter.add.f32 [tilespmem:s18], [sflag:$0x4], $0x80, s23, s16, $0xb8;
	[tilespmem:$0x1E800] =	vst v63  }
0x4d: {  	_ =	swait.ge [sflag:s20], $0x4000  }
0x4e: {  	[sflag:s20] =	ssyncset.done $0x0  }
0x4f: {  	[sflag:s20] =	ssyncadd.s32 $0xFFFFC000  }
0x50: {  	_ =	swait.ge [sflag:s22], $0x4000  }
0x51: {  	[sflag:s22] =	ssyncset.done $0x0  }
0x52: {  	[sflag:s22] =	ssyncadd.s32 $0xFFFFC000  }
0x53: {  	[tilespmem:s3], [sflag:$0x5] =	stream.linear.gather [hbm4b:s9+s3], $0x1400, $0x38;
	[tilespmem:$0x1E800] =	vst v63  }
0x54: {  	_ =	swait.ge [sflag:s14], $0x1400  }
0x55: {  	[sflag:s14] =	ssyncset.done $0x0  }
0x56: {  	[sflag:s14] =	ssyncadd.s32 $0xFFFFEC00  }
0x57: {  	[tilespmem:s15], [sflag:$0x5] =	stream.linear.gather [hbm4b:s10+s3], $0x1400, $0x38;
	[tilespmem:$0x1E800] =	vst v63  }
0x58: {  	_ =	swait.ge [sflag:s14], $0x1400  }
0x59: {  	[sflag:s14] =	ssyncset.done $0x0  }
0x5a: {  	[sflag:s14] =	ssyncadd.s32 $0xFFFFEC00  }
0x5b: {  	[tilespmem:s17], [sflag:$0x1] =	stream.indirect.gather [hbm4b:s4+s16], $0x80, s3, s16, $0xb8;
	[tilespmem:$0x1E800] =	vst v63  }
0x5c: {  	_ = 	snop  }
0x5d: {  	[tilespmem:s18], [sflag:$0x2] =	stream.indirect.gather [hbm4b:s4+s16], $0x80, s16, s16, $0xb8;
	[tilespmem:$0x1E800] =	vst v63  }
0x5e: {  	_ =	swait.ge [sflag:s19], $0x4000  }
0x5f: {  	[sflag:s19] =	ssyncset.done $0x0  }
0x60: {  	[sflag:s19] =	ssyncadd.s32 $0xFFFFC000  }
0x61: {  	[spmem:s2] =	stream.indirect.scatter.add.f32 [tilespmem:s17], [sflag:$0x3], $0x80, s15, s16, $0xb8;
	[tilespmem:$0x1E800] =	vst v63  }
0x62: {  	_ =	swait.ge [sflag:s20], $0x4000  }
0x63: {  	[sflag:s20] =	ssyncset.done $0x0  }
0x64: {  	s25 =	simm.s32 $0x100;
	[sflag:s20] =	ssyncadd.s32 $0xFFFFC000  }
0x65: {  	[tilespmem:s17], [sflag:$0x1] =	stream.indirect.gather [hbm4b:s4+s16], $0x80, s25, s16, $0xb8;
	[tilespmem:$0x1E800] =	vst v63  }
0x66: {  	_ =	swait.ge [sflag:s21], $0x4000  }
0x67: {  	[sflag:s21] =	ssyncset.done $0x0  }
0x68: {  	s30 =	simm.s32 $0x1480;
	[sflag:s21] =	ssyncadd.s32 $0xFFFFC000  }
0x69: {  	[spmem:s2] =	stream.indirect.scatter.add.f32 [tilespmem:s18], [sflag:$0x4], $0x80, s30, s16, $0xb8;
	[tilespmem:$0x1E800] =	vst v63  }
0x6a: {  	_ =	swait.ge [sflag:s22], $0x4000  }
0x6b: {  	[sflag:s22] =	ssyncset.done $0x0  }
0x6c: {  	s31 =	simm.s32 $0x180;
	[sflag:s22] =	ssyncadd.s32 $0xFFFFC000  }
0x6d: {  	[tilespmem:s18], [sflag:$0x2] =	stream.indirect.gather [hbm4b:s4+s16], $0x80, s31, s16, $0xb8;
	[tilespmem:$0x1E800] =	vst v63  }
0x6e: {  	_ =	swait.ge [sflag:s19], $0x4000  }
0x6f: {  	[sflag:s19] =	ssyncset.done $0x0  }
0x70: {  	s26 =	simm.s32 $0x1500;
	s25 =	simm.s32 $0xFFFFB800;
	[sflag:s19] =	ssyncadd.s32 $0xFFFFC000  }
.LBB2_4:
0x71: {  	[spmem:s2] =	stream.indirect.scatter.add.f32 [tilespmem:s17], [sflag:$0x3], $0x80, s26, s16, $0xb8;
	[tilespmem:$0x1E800] =	vst v63  }
0x72: {  	s26 =	smov.u32 s25  }
0x73: {  	p0 =	sne.s32 s25, $0xFFFFFC00;
	s25 =	sadd.s32 $0x400, s25;
	_ =	swait.ge [sflag:s20], $0x4000  }
0x74: {  	s26 =	sshra.s32 s26, $0x2;
	[sflag:s20] =	ssyncset.done $0x0  }
0x75: {  	s28 =	sadd.s32 $0x1400, s26;
	[sflag:s20] =	ssyncadd.s32 $0xFFFFC000  }
0x76: {  	[tilespmem:s17], [sflag:$0x1] =	stream.indirect.gather [hbm4b:s4+s16], $0x80, s28, s16, $0xb8;
	[tilespmem:$0x1E800] =	vst v63  }
0x77: {  	_ =	swait.ge [sflag:s21], $0x4000  }
0x78: {  	[sflag:s21] =	ssyncset.done $0x0  }
0x79: {  	s28 =	sadd.s32 $0x2780, s26;
	[sflag:s21] =	ssyncadd.s32 $0xFFFFC000  }
0x7a: {  	[spmem:s2] =	stream.indirect.scatter.add.f32 [tilespmem:s18], [sflag:$0x4], $0x80, s28, s16, $0xb8;
	[tilespmem:$0x1E800] =	vst v63  }
0x7b: {  	_ =	swait.ge [sflag:s22], $0x4000  }
0x7c: {  	[sflag:s22] =	ssyncset.done $0x0  }
.Ltmp1:
0x7d: {  	s28 =	sadd.s32 $0x1480, s26;
	[sflag:s22] =	ssyncadd.s32 $0xFFFFC000;
	(pc) =	sbr.rel @p0 .LBB2_4-.Ltmp1, $4  }
0x7e: {  	[tilespmem:s18], [sflag:$0x2] =	stream.indirect.gather [hbm4b:s4+s16], $0x80, s28, s16, $0xb8;
	[tilespmem:$0x1E800] =	vst v63  }
0x7f: {  	_ =	swait.ge [sflag:s19], $0x4000  }
0x80: {  	[sflag:s19] =	ssyncset.done $0x0  }
0x81: {  	s26 =	sadd.s32 $0x2800, s26;
	[sflag:s19] =	ssyncadd.s32 $0xFFFFC000  }
0x82: {  	[spmem:s2] =	stream.indirect.scatter.add.f32 [tilespmem:s17], [sflag:$0x3], $0x80, s26, s16, $0xb8;
	[tilespmem:$0x1E800] =	vst v63  }
0x83: {  	_ =	swait.ge [sflag:s21], $0x4000  }
0x84: {  	[sflag:s21] =	ssyncset.done $0x0  }
0x85: {  	[sflag:s21] =	ssyncadd.s32 $0xFFFFC000  }
0x86: {  	[spmem:s2] =	stream.indirect.scatter.add.f32 [tilespmem:s18], [sflag:$0x4], $0x80, s23, s16, $0xb8;
	[tilespmem:$0x1E800] =	vst v63  }
0x87: {  	_ =	swait.ge [sflag:s20], $0x4000  }
0x88: {  	[sflag:s20] =	ssyncset.done $0x0  }
0x89: {  	[sflag:s20] =	ssyncadd.s32 $0xFFFFC000  }
0x8a: {  	_ =	swait.ge [sflag:s22], $0x4000  }
0x8b: {  	s24 =	sadd.s32 $0x1, s24;
	[sflag:s22] =	ssyncset.done $0x0  }
0x8c: {  	p0 =	sne.s32 s24, s12;
	[sflag:s22] =	ssyncadd.s32 $0xFFFFC000  }
.Ltmp2:
0x8d: {  	[bflag:$0x0] =	sbarrier.arrive $0xFFFF;
	(pc) =	sbr.rel @p0 .LBB2_1-.Ltmp2, $4  }
0x8e: {  	[hbm:s11], [sflag:s6] =	dma.local [spmem:s13], $0x2800  }
0x8f: {  	_ =	swait.ge [sflag:s14], $0x2800  }
0x90: {  	[sflag:s14] =	ssyncset.done $0x0  }
0x91: {  	[sflag:s14] =	ssyncadd.s32 $0xFFFFD800  }
0x92: {  	_ =	sfence.sel $0x180000  }
0x93: {  	[bflag:$0x0] =	sbarrier.arrive $0xFFFF  }
0x94: {  	p0 =	sne.s32 s1, $0x0;
	_ =	strace $0x9000004D  }
0x95: {  	s0 =	sadd.s32 @!p0 $0x100000, s0;
	[bflag:$0x2] =	sbarrier.arrive $0xFFFF  }
0x96: {  	[sflag:s0] =	ssyncadd.tile.s32 @!p0 $0x1;
	_ =	shalt  }
.Lfunc_end2:
_tile_overlayer_lowered:
.L_overlay_start_2:
0x97: {  	(tag) =	ssettag $0x2  }
0x98: {  	s0 =	rddreg [dreg:$0x0];
	s2 =	stileid.u32  }
0x99: {  	s1 =	rddreg [dreg:$0x1];
	p0 =	sne.s32 s2, $0x0  }
0x9a: {  	s3 =	rddreg [dreg:$0x2];
	[bflag:$0x3] =	sbarrier.arrive $0xFFFF;
	s2 =	simm.s32 @!p0 $0x1C05  }
0x9b: {  	[timem:s3], [sflag:s2] =	dma.local @!p0 [hbm:s0], s1  }
0x9c: {  	s0 =	simm.s32 @!p0 $0x5  }
0x9d: {  	_ =	swait.ge @!p0 [sflag:s0], s1  }
0x9e: {  	s1 =	ssub.s32 @!p0 $0x0, s1;
	[sflag:s0] =	ssyncset.done @!p0 $0x0  }
0x9f: {  	[sflag:s0] =	ssyncadd.s32 @!p0 s1  }
0xa0: {  	[bflag:$0x3] =	sbarrier.arrive $0xFFFF  }
0xa1: {  	_ =	shalt  }

// kernel: kernel.8.cloned.1.call-start
scs
__scs_entry_jumppad:
0x0: {  	(pc) =	sbr.rel $0x88, $3  }
0x1: {  	(tag) =	ssettag $0x0;
	lr =	simm.s32 $0x1  }
0x2: {  	[smem:$0x3F9B] =	sst lr;
	_ =	strace $0xD0000000  }
0x3: {  	_ = 	snop  }
0x4: {  	_ = 	snop  }
0x5: {  	_ = 	snop  }
0x6: {  	_ = 	snop  }
0x7: {  	_ = 	snop  }
__scs_overlays_trampoline_lowered:
0x8: {  	[smem:$0x3FAA] =	sst s0  }
0x9: {  	[smem:$0x3FAB] =	sst s1  }
0xa: {  	[smem:$0x3FAC] =	sst s2  }
0xb: {  	[smem:$0x3FAD] =	sst s3  }
0xc: {  	[smem:$0x3FAE] =	sst s4  }
0xd: {  	[smem:$0x3FAF] =	sst s5  }
0xe: {  	[smem:$0x3FB0] =	sst s6  }
0xf: {  	[smem:$0x3FB1] =	sst s7  }
0x10: {  	[smem:$0x3FB2] =	sst s8  }
0x11: {  	[smem:$0x3FB3] =	sst s9;
	s0 =	simm.s32 @!p0 $0x0  }
0x12: {  	s1 =	sld [smem:$0x3F99];
	s0 =	simm.s32 @p0 $0x1  }
0x13: {  	[smem:$0x3FB4] =	sst s0;
	s0 =	simm.s32 @!p1 $0x0  }
0x14: {  	s2 =	sld [smem:$0x3F98];
	s0 =	simm.s32 @p1 $0x1  }
0x15: {  	[smem:$0x3FB5] =	sst s0;
	s0 =	simm.s32 @!p2 $0x0  }
0x16: {  	s3 =	sld [smem:$0x3FDB];
	s0 =	simm.s32 @p2 $0x1  }
0x17: {  	s4 =	simm.s32 $0x1BF5;
	[smem:$0x3FB7] =	sst s0  }
0x18: {  	s0 =	sld [smem:$0x3F9A];
	_ =	swait.ge [sflag:s4], $0x0  }
0x19: {  	s7 =	sld [smem:$0x3F9B]  }
0x1a: {  	s8 =	sadd.s32 $0xFFFFE003, lr  }
0x1b: {  	s9 =	sadd.s32 $0xFFFFFEF7, lr;
	s5 =	simm.s32 $0xFFFFFFFF;
	p2 =	slt.u32 s8, $0xFFFFF086  }
0x1c: {  	p1 =	slt.u32 s9, $0xF7A;
	s5 =	simm.s32 @!p2 $0x0  }
0x1d: {  	s5 =	simm.s32 @p1 $0x1;
	p0 =	seq.s32 s7, s2  }
0x1e: {  	s7 =	smul.u32 @!p0 $0xF7A, s2;
	p2 =	seq.s32 @!p0 s5, $0x0  }
0x1f: {  	s9 =	smul.u32 $0xF7A, s1;
	s8 =	simm.s32 @!p0 $0x1BF5;
	p2 =	por !p2, p0  }
0x20: {  	[sflag:s8] =	ssyncset.s32 @!p0 $0xFFFFF086;
	s6 =	sadd.s32 @!p0 s3, s7;
	s7 =	simm.s32 @!p0 $0x108  }
0x21: {  	s3 =	sadd.s32 s3, s9;
	s6 =	sadd.s32 @!p0 $0x88, s6;
	s7 =	simm.s32 @p2 $0x1082  }
0x22: {  	[simem:s7], [sflag:s8] =	dma.local @!p0 [hbm:s6], $0xF7A  }
0x23: {  	s9 =	sor.u32 $0xD0000000, s2;
	s6 =	simm.s32 $0x108;
	_ =	swait.ge @!p0 [sflag:s8], $0x0  }
0x24: {  	s3 =	sadd.s32 $0x88, s3;
	s6 =	simm.s32 @!p1 $0x1082;
	[sflag:s4] =	ssyncset.s32 $0xFFFFF086  }
0x25: {  	[simem:s6], [sflag:s4] =	dma.local [hbm:s3], $0xF7A  }
0x26: {  	[smem:$0x3F9B] =	sst s1;
	(tag) =	ssettag s2;
	_ =	strace s9  }
0x27: {  	s1 =	sld [smem:$0x3FAB]  }
0x28: {  	s2 =	sld [smem:$0x3FAC]  }
0x29: {  	s4 =	sld [smem:$0x3FAE]  }
0x2a: {  	p0 =	seq.s32 s5, $0x0;
	s5 =	sld [smem:$0x3FAF]  }
0x2b: {  	s6 =	sld [smem:$0x3FB0]  }
0x2c: {  	s7 =	sld [smem:$0x3FB1]  }
0x2d: {  	s3 =	simm.s32 $0x108;
	s8 =	sld [smem:$0x3FB2]  }
0x2e: {  	s3 =	simm.s32 @!p0 $0x1082;
	s9 =	sld [smem:$0x3FB3]  }
0x2f: {  	lr =	sadd.s32 s0, s3;
	s0 =	sld [smem:$0x3FAA]  }
0x30: {  	s3 =	sld [smem:$0x3FAD]  }
0x31: {  	[smem:$0x3FB6] =	sst s10  }
0x32: {  	s10 =	sld [smem:$0x3FB4];
	_ =	sdelay $0x3  }
0x33: {  	p0 =	seq.s32 s10, $0x1;
	s10 =	sld [smem:$0x3FB6];
	_ =	sdelay $0x3  }
0x34: {  	[smem:$0x3FB6] =	sst s10  }
0x35: {  	s10 =	sld [smem:$0x3FB5];
	_ =	sdelay $0x3  }
0x36: {  	p1 =	seq.s32 s10, $0x1;
	s10 =	sld [smem:$0x3FB6];
	_ =	sdelay $0x3  }
0x37: {  	[smem:$0x3FB6] =	sst s10  }
0x38: {  	s10 =	sld [smem:$0x3FB7]  }
0x39: {  	_ = 	snop;
	(pc) =	sbr.ind lr, $3  }
0x3a: {  	_ = 	snop  }
0x3b: {  	_ = 	snop  }
0x3c: {  	p2 =	seq.s32 s10, $0x1;
	s10 =	sld [smem:$0x3FB6]  }
0x3d: {  	_ =	shalt  }
0x3e: {  	_ =	shalt  }
0x3f: {  	_ =	shalt  }
0x40: {  	_ =	shalt  }
0x41: {  	_ =	shalt  }
0x42: {  	_ =	shalt  }
0x43: {  	_ =	shalt  }
0x44: {  	_ =	shalt  }
0x45: {  	_ =	shalt  }
0x46: {  	_ =	shalt  }
0x47: {  	_ =	shalt  }
0x48: {  	_ =	shalt  }
0x49: {  	_ =	shalt  }
0x4a: {  	_ =	shalt  }
0x4b: {  	_ =	shalt  }
0x4c: {  	_ =	shalt  }
0x4d: {  	_ =	shalt  }
0x4e: {  	_ =	shalt  }
0x4f: {  	_ =	shalt  }
0x50: {  	_ =	shalt  }
0x51: {  	_ =	shalt  }
0x52: {  	_ =	shalt  }
0x53: {  	_ =	shalt  }
0x54: {  	_ =	shalt  }
0x55: {  	_ =	shalt  }
0x56: {  	_ =	shalt  }
0x57: {  	_ =	shalt  }
0x58: {  	_ =	shalt  }
0x59: {  	_ =	shalt  }
0x5a: {  	_ =	shalt  }
0x5b: {  	_ =	shalt  }
0x5c: {  	_ =	shalt  }
0x5d: {  	_ =	shalt  }
0x5e: {  	_ =	shalt  }
0x5f: {  	_ =	shalt  }
0x60: {  	_ =	shalt  }
0x61: {  	_ =	shalt  }
0x62: {  	_ =	shalt  }
0x63: {  	_ =	shalt  }
0x64: {  	_ =	shalt  }
0x65: {  	_ =	shalt  }
0x66: {  	_ =	shalt  }
0x67: {  	_ =	shalt  }
0x68: {  	_ =	shalt  }
0x69: {  	_ =	shalt  }
0x6a: {  	_ =	shalt  }
0x6b: {  	_ =	shalt  }
0x6c: {  	_ =	shalt  }
0x6d: {  	_ =	shalt  }
0x6e: {  	_ =	shalt  }
0x6f: {  	_ =	shalt  }
0x70: {  	_ =	shalt  }
0x71: {  	_ =	shalt  }
0x72: {  	_ =	shalt  }
0x73: {  	_ =	shalt  }
0x74: {  	_ =	shalt  }
0x75: {  	_ =	shalt  }
0x76: {  	_ =	shalt  }
0x77: {  	_ =	shalt  }
0x78: {  	_ =	shalt  }
0x79: {  	_ =	shalt  }
0x7a: {  	_ =	shalt  }
0x7b: {  	_ =	shalt  }
0x7c: {  	_ =	shalt  }
0x7d: {  	_ =	shalt  }
0x7e: {  	_ =	shalt  }
0x7f: {  	_ =	shalt  }
0x80: {  	_ =	shalt  }
0x81: {  	_ =	shalt  }
0x82: {  	_ =	shalt  }
0x83: {  	_ =	shalt  }
0x84: {  	_ =	shalt  }
0x85: {  	_ =	shalt  }
0x86: {  	_ =	shalt  }
0x87: {  	_ =	shalt  }
.Lfunc_end0:
.L_simem_size_0:
called_computation_lowered:
.L_overlay_start_0:
0x88: {  	s2 =	sld [smem:$0x3FD9]  }
0x89: {  	s3 =	sld [smem:$0x3FFE];
	_ =	sdelay $0x1  }
0x8a: {  	s1 =	srdreg.scid  }
0x8b: {  	s0 =	sand.u32 $0x1, s1  }
0x8c: {  	s17 =	sshll.u32 s0, $0xA;
	s2 =	sadd.s32 s3, s2  }
0x8d: {  	s2 =	sadd.s32 s2, s17  }
0x8e: {  	[smem:$0x3FC2] =	sst s2  }
0x8f: {  	_ = 	snop  }
0x90: {  	s2 =	sld [smem:$0x3FD0];
	(tm) =	ssettm $0x1  }
0x91: {  	s18 =	sld [smem:$0x3FFB];
	_ =	sdelay $0x3  }
0x92: {  	_ =	strace s18  }
0x93: {  	s3 =	sld [smem:$0x3FFC];
	_ =	sdelay $0x3  }
0x94: {  	_ =	strace s3  }
0x95: {  	s3 =	sld [smem:$0x3FFD];
	_ =	sdelay $0x3  }
0x96: {  	_ =	strace s3  }
0x97: {  	_ =	strace $0x8FFFFFFF  }
0x98: {  	s19 =	sld [smem:$0x3FDB];
	_ =	sdelay $0x1  }
0x99: {  	s4 =	simm.s32 $_scs_section_size  }
0x9a: {  	s5 =	simm.s32 $_size__tile_overlayer_lowered;
	s6 =	simm.s32 $_tile_overlayer_lowered  }
0x9b: {  	s22 =	simm.s32 $0x1BFF;
	s21 =	sshll.u32 s6, $0x1;
	s3 =	sadd.s32 s4, s19  }
0x9c: {  	s7 =	simm.s32 $0x0;
	s20 =	sshll.u32 s5, $0x1;
	s5 =	sadd.s32 s21, s3  }
0x9d: {  	[timem:s7], [sflag:s22] =	dma.local [hbm:s5], s20  }
0x9e: {  	_ =	swait.ge [sflag:s22], s20  }
0x9f: {  	s4 =	ssub.s32 $0x0, s20;
	[sflag:s22] =	ssyncset.done $0x0  }
0xa0: {  	[sflag:s22] =	ssyncadd.s32 s4;
	_ =	sdelay $0x1  }
0xa1: {  	s23 =	simm.s32 $0x1B8B  }
0xa2: {  	_ =	swait.ge [sflag:s23], $0x1  }
0xa3: {  	[sflag:s23] =	ssyncset.done $0x0  }
0xa4: {  	s25 =	simm.s32 $0x1B8E;
	s24 =	sld [smem:$0x3FFE];
	[sflag:s23] =	ssyncadd.s32 $0xFFFFFFFF  }
0xa5: {  	s26 =	simm.s32 $execute0_lowered;
	[smem:$0x3FD2] =	sst s25  }
0xa6: {  	s5 =	sshll.u32 s26, $0x1;
	_ =	strace $0x80000046;
	[dreg:$0x1] =	wrdreg $0xFFFFFFFF  }
0xa7: {  	s28 =	simm.s32 $_size_execute0_lowered;
	s3 =	sadd.s32 s3, s5;
	[dreg:$0x0] =	wrdreg $0x0  }
0xa8: {  	s5 =	sshll.u32 s28, $0x1;
	[dreg:$0x2] =	wrdreg s3  }
0xa9: {  	[dreg:$0x3] =	wrdreg s5  }
0xaa: {  	[dreg:$0x4] =	wrdreg $0xC0  }
0xab: {  	_ =	task [dreg:s7], $0x5FFFF  }
0xac: {  	[dreg:$0x1] =	wrdreg $0xFFFFFFFF  }
0xad: {  	[dreg:$0x0] =	wrdreg $0x60  }
0xae: {  	[dreg:$0x2] =	wrdreg s24  }
0xaf: {  	[dreg:$0x3] =	wrdreg s2  }
0xb0: {  	[dreg:$0x4] =	wrdreg $0x51800  }
0xb1: {  	[dreg:$0x5] =	wrdreg $0x9  }
0xb2: {  	_ =	task.clear_ibuf [dreg:s7], $0x6FFFF;
	_ =	strace $0x90000046  }
0xb3: {  	s29 =	simm.s32 $0x9;
	_ =	strace $0x80000048  }
0xb4: {  	_ =	swait.ge [sflag:s29], $0x1  }
0xb5: {  	[sflag:s29] =	ssyncadd.s32 $0xFFFFFFFF  }
0xb6: {  	_ =	strace $0x90000048  }
0xb7: {  	_ =	sfence  }
0xb8: {  	s30 =	sld [smem:$0x0];
	_ =	sdelay $0x2  }
0xb9: {  	s31 =	sshll.u32 s1, $0xD;
	s1 =	sshrl.u32 s1, $0x2  }
0xba: {  	s3 =	sand.u32 $0x4000, s31;
	s1 =	sadd.s32 s1, s30  }
0xbb: {  	s0 =	sor.u32 s3, s0;
	s1 =	sshll.u32 s1, $0x11  }
0xbc: {  	s0 =	sor.u32 s1, s0  }
0xbd: {  	s0 =	sadd.s32 $0x8F2B, s0  }
0xbe: {  	[sflag:s0] =	ssyncadd.remote.s32 $0x1  }
0xbf: {  	_ =	sfence.sel $0xFFFF  }
0xc0: {  	[dreg:$0x0] =	wrdreg $0xFFFFFFFF;
	(pc) =	sbr.abs _section_cstart, $3  }
0xc1: {  	[dreg:$0x1] =	wrdreg $0xFFFFFFFF  }
0xc2: {  	_ =	task.clear_ibuf [dreg:s7], $0x2FFFF;
	_ =	strace $0x9FFFFFFF  }
0xc3: {  	(tm) =	ssettm $0x7FFFFFFF  }
tec
execute0_lowered:
.L_overlay_start_1:
0x0: {  	(tag) =	ssettag $0x1  }
0x1: {  	s6 =	rddreg [dreg:$0x0]  }
0x2: {  	s1 =	rddreg [dreg:$0x1]  }
0x3: {  	s0 =	srdreg.scid;
	s3 =	rddreg [dreg:$0x2]  }
0x4: {  	s2 =	stileid.u32;
	s4 =	simm.s32 $0x0;
	s11 =	simm.s32 $0x2800  }
0x5: {  	s14 =	simm.s32 $0x5000;
	s15 =	simm.s32 $0x5080;
	s16 =	simm.s32 $0x5100  }
0x6: {  	s17 =	simm.s32 $0x50;
	s5 =	sand.u32 $0x1, s0;
	s0 =	rddreg [dreg:$0x3]  }
0x7: {  	s18 =	simm.s32 $0x0;
	[smem:$0x7FF] =	sst s4;
	s9 =	sshll.u32 s2, $0xA  }
0x8: {  	v0 =	vimm.s32 $0xFFEDCBA9;
	v1 =	vimm.s32 $0x87654321;
	s31 =	sshll.u32 s2, $0x7;
	p0 =	sgt.u32 s2, $0x9;
	s7 =	sshll.u32 s5, $0x4  }
0x9: {  	v2 =	vimm.s32 $0xEDCBA987;
	v0 =	vunpack.c.l.s4.s8 v0;
	v1 =	vunpack.c.l.s4.s8 v1;
	s8 =	smul.u32 $0x2800, s5;
	_ =	strace $0x80000047;
	s10 =	ssub.s32 $0x2, s5  }
0xa: {  	v3 =	vimm.s32 $0x65432100;
	v2 =	vunpack.c.l.s4.s8 v2;
	s5 =	sadd.s32 $0xC000, s6;
	s13 =	sadd.s32 s9, s3;
	s12 =	sshll.u32 @!p0 s2, $0x6  }
0xb: {  	v3 =	vunpack.c.l.s4.s8 v3;
	s7 =	sor.u32 s2, s7;
	s30 =	sshrl.u32 s10, $0x1;
	v0 =	vunpack.c.0.s8.s32 v0;
	v1 =	vunpack.c.0.s8.s32 v1;
	s12 =	sor.u32 @!p0 $0x1C01, s12  }
0xc: {  	v2 =	vunpack.c.0.s8.s32 v2;
	s7 =	smul.u32 $0x500, s7;
	s8 =	sadd.s32 s9, s8;
	s10 =	ssub.s32 s10, s30  }
0xd: {  	v3 =	vunpack.c.0.s8.s32 v3;
	s13 =	sshrl.u32 @!p0 s13, $0x3;
	s8 =	sshrl.u32 s8, $0x3;
	s9 =	smax.u32 s10, $0x1;
	v1 =	vcombine.low v1, v0  }
0xe: {  	vm0 =	vcmask $0x3F3C;
	s10 =	simm.s32 $0x1;
	v0 =	vimm.f32 $1.000000000e+00;
	v2 =	vand.u32 $0xF, v2;
	s7 =	sadd.s32 s7, s6;
	s8 =	sadd.s32 s8, s6  }
0xf: {  	v2 =	vcombine.low v3, v2;
	v3 =	vlaneseq.u32;
	s6 =	sadd.s32 $0x2000, s7;
	s7 =	sadd.s32 s5, s31;
	s8 =	sadd.s32 $0x34000, s8;
	v1 =	vand.u32 $0xF, v1  }
.LBB2_1:
0x10: {  	[tilespmem:s4], [sflag:$0x1] =	stream.linear.gather [hbm4b:s6+s4], $0x2800, $0x38;
	[tilespmem:$0x5400] =	vst v63  }
0x11: {  	_ =	swait.ge [sflag:s10], $0x2800  }
0x12: {  	[sflag:s10] =	ssyncset.done $0x0  }
0x13: {  	[sflag:s10] =	ssyncadd.s32 $0xFFFFD800  }
0x14: {  	[tilespmem:s11], [sflag:$0x1] =	stream.linear.gather [hbm4b:s5+s4], $0x2800, $0x38;
	[tilespmem:$0x5400] =	vst v63  }
0x15: {  	_ =	swait.ge [sflag:s10], $0x2800  }
0x16: {  	[sflag:s10] =	ssyncset.done $0x0  }
0x17: {  	s19 =	simm.s32 @!p0 $0x1;
	[sflag:s10] =	ssyncadd.s32 $0xFFFFD800  }
0x18: {  	[spmem:s13], [sflag:s12] =	dma.local @!p0 [hbm:s7], $0x80  }
0x19: {  	_ =	swait.ge @!p0 [sflag:s19], $0x80  }
0x1a: {  	[sflag:s19] =	ssyncset.done @!p0 $0x0  }
0x1b: {  	[sflag:s19] =	ssyncadd.s32 @!p0 $0xFFFFFF80  }
0x1c: {  	[tilespmem:s14], [sflag:$0x1] =	stream.linear.gather [hbm4b:s1+s4], $0x80, $0x38;
	[tilespmem:$0x5400] =	vst v63  }
0x1d: {  	_ =	swait.ge [sflag:s10], $0x80  }
0x1e: {  	s30 =	sand.u32 $0xFE00, s4;
	[sflag:s10] =	ssyncset.done $0x0  }
0x1f: {  	s20 =	sand.u32 $0x70, s4;
	s19 =	sshrl.u32 s30, $0x2;
	[sflag:s10] =	ssyncadd.s32 $0xFFFFFF80  }
0x20: {  	s19 =	sor.u32 s20, s19;
	[bflag:$0x0] =	sbarrier.arrive $0xFFFF  }
0x21: {  	v4 =	vld [tilespmem:s19+$0x0];
	_ =	sdelay $0x4  }
0x22: {  	v4 =	vxor.u32 $0x80000000, v4  }
0x23: {  	(xrf1) =	vsort.ascd.msk.u32 $0xffff, v4, v0;
	_ =	sdelay $0xd  }
0x24: {  	v4, v5, _ =	vpop (xrf1)  }
0x25: {  	(xrf2) =	vadd.scan.msk.f32 $0xffff, v5;
	_ =	sdelay $0x1  }
0x26: {  	v4 =	vxor.u32 $0x80000000, v4  }
0x27: {  	[tilespmem:$0x5080] =	vst v4  }
0x28: {  	v5 =	vld.idx.msk [tilespmem:v1+s15+$0x0], $0xffff;
	_ =	sdelay $0x4  }
0x29: {  	vm1 =	vne.s32 v4, v5  }
0x2a: {  	vm2 =	vmor vm1, vm0;
	v5, _, _ =	vpop (xrf2)  }
0x2b: {  	v6 =	vnsel vm2, $0x0, v5  }
0x2c: {  	(xrf0) =	vmax.scan.msk.f32 $0xffff, v6;
	_ =	sdelay $0x5  }
0x2d: {  	v6, _, _ =	vpop (xrf0)  }
0x2e: {  	[tilespmem:$0x5100] =	vst v6  }
0x2f: {  	v6 =	vld.idx.msk [tilespmem:v2+s16+$0x0], $0xffff;
	_ =	sdelay $0x3  }
0x30: {  	s31 =	simm.s32 $0x40;
	vm1 =	veq.s32 v3, $0x0  }
0x31: {  	s22 =	sand.u32 $0xFE00, s31;
	s19 =	simm.s32 $0x10;
	v6 =	vsel vm1, $0x0, v6  }
0x32: {  	s22 =	sshrl.u32 s22, $0x2;
	s20 =	simm.s32 $0x80;
	s21 =	sand.u32 $0x70, s19;
	v5 =	vsub.f32 v5, v6  }
.LBB2_2:
0x33: {  	p1 =	sne.s32 s20, $0x9FC0  }
0x34: {  	s22 =	sor.u32 s21, s22;
	[tilespmem:v4+s11+$0x0] =	vst.idx.add.f32.msk vm2, v5;
	s21 =	smov.u32 s20;
	s20 =	sadd.s32 $0x40, s20  }
0x35: {  	v4 =	vld [tilespmem:s22+$0x0];
	_ =	sdelay $0x4  }
0x36: {  	v4 =	vxor.u32 $0x80000000, v4  }
0x37: {  	(xrf1) =	vsort.ascd.msk.u32 $0xffff, v4, v0;
	_ =	sdelay $0xd  }
0x38: {  	v4, v5, _ =	vpop (xrf1)  }
0x39: {  	(xrf2) =	vadd.scan.msk.f32 $0xffff, v5  }
0x3a: {  	v4 =	vxor.u32 $0x80000000, v4  }
0x3b: {  	[tilespmem:$0x5080] =	vst v4  }
0x3c: {  	v5 =	vld.idx.msk [tilespmem:v1+s15+$0x0], $0xffff;
	_ =	sdelay $0x5  }
0x3d: {  	vm2 =	vne.s32 v4, v5  }
0x3e: {  	vm2 =	vmor vm2, vm0;
	v5, _, _ =	vpop (xrf2)  }
0x3f: {  	v6 =	vnsel vm2, $0x0, v5  }
0x40: {  	(xrf0) =	vmax.scan.msk.f32 $0xffff, v6;
	_ =	sdelay $0x5  }
0x41: {  	v6, _, _ =	vpop (xrf0)  }
0x42: {  	[tilespmem:$0x5100] =	vst v6  }
0x43: {  	v6 =	vld.idx.msk [tilespmem:v2+s16+$0x0], $0xffff;
	_ =	sdelay $0x3  }
.Ltmp0:
0x44: {  	(pc) =	sbr.rel @p1 .LBB2_2-.Ltmp0, $4  }
0x45: {  	_ = 	snop  }
0x46: {  	v6 =	vsel vm1, $0x0, v6  }
0x47: {  	s19 =	sadd.s32 $0x10, s19;
	s22 =	sand.u32 $0xFE00, s21;
	v5 =	vsub.f32 v5, v6  }
0x48: {  	s21 =	sand.u32 $0x70, s19;
	s22 =	sshrl.u32 s22, $0x2  }
0x49: {  	_ =	sdelay $0x4  }
0x4a: {  	s19 =	sor.u32 s21, s22;
	[tilespmem:v4+s11+$0x0] =	vst.idx.add.f32.msk vm2, v5  }
0x4b: {  	v4 =	vld [tilespmem:s19+$0x0];
	_ =	sdelay $0x4  }
0x4c: {  	v4 =	vxor.u32 $0x80000000, v4  }
0x4d: {  	(xrf1) =	vsort.ascd.msk.u32 $0xffff, v4, v0;
	_ =	sdelay $0xd  }
0x4e: {  	v4, v5, _ =	vpop (xrf1)  }
0x4f: {  	(xrf2) =	vadd.scan.msk.f32 $0xffff, v5;
	_ =	sdelay $0x1  }
0x50: {  	v4 =	vxor.u32 $0x80000000, v4  }
0x51: {  	[tilespmem:$0x5080] =	vst v4  }
0x52: {  	v5 =	vld.idx.msk [tilespmem:v1+s15+$0x0], $0xffff;
	_ =	sdelay $0x4  }
0x53: {  	vm1 =	vne.s32 v4, v5  }
0x54: {  	vm1 =	vmor vm1, vm0;
	v5, _, _ =	vpop (xrf2)  }
0x55: {  	v6 =	vnsel vm1, $0x0, v5  }
0x56: {  	(xrf0) =	vmax.scan.msk.f32 $0xffff, v6;
	_ =	sdelay $0x5  }
0x57: {  	v6, _, _ =	vpop (xrf0)  }
0x58: {  	[tilespmem:$0x5100] =	vst v6  }
0x59: {  	v6 =	vld.idx.msk [tilespmem:v2+s16+$0x0], $0xffff;
	_ =	sdelay $0x3  }
0x5a: {  	vm2 =	veq.s32 v3, $0x0  }
0x5b: {  	v6 =	vsel vm2, $0x0, v6  }
0x5c: {  	v5 =	vsub.f32 v5, v6;
	_ =	sdelay $0x1  }
0x5d: {  	[tilespmem:v4+s11+$0x0] =	vst.idx.add.f32.msk vm1, v5  }
0x5e: {  	[spmem:s3] =	stream.indirect.scatter.add.f32 [tilespmem:s11], [sflag:$0x1], $0x80, s14, s17, $0xb8;
	[tilespmem:$0x5400] =	vst v63  }
0x5f: {  	_ =	swait.ge [sflag:s10], $0x2800  }
0x60: {  	s18 =	sadd.s32 $0x1, s18;
	[sflag:s10] =	ssyncset.done $0x0  }
0x61: {  	p1 =	sne.s32 s18, s9;
	[sflag:s10] =	ssyncadd.s32 $0xFFFFD800  }
.Ltmp1:
0x62: {  	s19 =	simm.s32 @!p0 $0x1;
	[bflag:$0x0] =	sbarrier.arrive $0xFFFF;
	(pc) =	sbr.rel @p1 .LBB2_1-.Ltmp1, $4  }
0x63: {  	[hbm:s8], [sflag:s12] =	dma.local @!p0 [spmem:s13], $0x80  }
0x64: {  	_ =	swait.ge @!p0 [sflag:s19], $0x80  }
0x65: {  	[sflag:s19] =	ssyncset.done @!p0 $0x0  }
0x66: {  	[sflag:s19] =	ssyncadd.s32 @!p0 $0xFFFFFF80  }
0x67: {  	_ =	sfence.sel $0x180000  }
0x68: {  	[bflag:$0x0] =	sbarrier.arrive $0xFFFF  }
0x69: {  	p0 =	sne.s32 s2, $0x0;
	_ =	strace $0x90000047  }
0x6a: {  	s0 =	sadd.s32 @!p0 $0x100000, s0;
	[bflag:$0x2] =	sbarrier.arrive $0xFFFF  }
0x6b: {  	[sflag:s0] =	ssyncadd.tile.s32 @!p0 $0x1;
	_ =	shalt  }
.Lfunc_end2:
_tile_overlayer_lowered:
.L_overlay_start_2:
0x6c: {  	(tag) =	ssettag $0x2  }
0x6d: {  	s0 =	rddreg [dreg:$0x0];
	s2 =	stileid.u32  }
0x6e: {  	s1 =	rddreg [dreg:$0x1];
	p0 =	sne.s32 s2, $0x0  }
0x6f: {  	s3 =	rddreg [dreg:$0x2];
	[bflag:$0x3] =	sbarrier.arrive $0xFFFF;
	s2 =	simm.s32 @!p0 $0x1C01  }
0x70: {  	[timem:s3], [sflag:s2] =	dma.local @!p0 [hbm:s0], s1  }
0x71: {  	s0 =	simm.s32 @!p0 $0x1  }
0x72: {  	_ =	swait.ge @!p0 [sflag:s0], s1  }
0x73: {  	s1 =	ssub.s32 @!p0 $0x0, s1;
	[sflag:s0] =	ssyncset.done @!p0 $0x0  }
0x74: {  	[sflag:s0] =	ssyncadd.s32 @!p0 s1  }
0x75: {  	[bflag:$0x3] =	sbarrier.arrive $0xFFFF  }
0x76: {  	_ =	shalt  }

</sc_bundles>
